<compile_context>
chip_gen: v7x
topology: tpu7x:2x2x1
jax: 0.10.2.dev20260603
libtpu: 0.0.44.dev20260713+nightly
codegen_flags: <defaults>
</compile_context>

<pallas_src>
import functools

import jax
import jax.numpy as jnp
from jax import lax
from jax.experimental import pallas as pl
from jax.experimental.pallas import tpu as pltpu
from jax.experimental.pallas import tpu_sc as plsc

_TOK_BLOCK = 1024


def _argmin_body(xsq_ref, x_ref, embt_ref, esq_ref, idx_ref):
    ncode = embt_ref.shape[1]
    nch = 4
    chw = ncode // nch
    x2 = x_ref[...] * 2.0
    d = lax.dot_general(x2, embt_ref[...], (((1,), (0,)), ((), ())),
                        preferred_element_type=jnp.float32)
    t = (xsq_ref[...] - d) + esq_ref[...]
    ii = lax.broadcasted_iota(jnp.int32, (1, chw), 1)
    ms, is_ = [], []
    for k in range(nch):
        tc = t[:, k * chw:(k + 1) * chw]
        m = jnp.min(tc, axis=1)
        cand = jnp.where(tc == m[:, None], ii, jnp.int32(ncode))
        ms.append(m)
        is_.append(jnp.min(cand, axis=1) + jnp.int32(k * chw))
    take1 = ms[1] < ms[0]
    m_l = jnp.where(take1, ms[1], ms[0])
    i_l = jnp.where(take1, is_[1], is_[0])
    take3 = ms[3] < ms[2]
    m_r = jnp.where(take3, ms[3], ms[2])
    i_r = jnp.where(take3, is_[3], is_[2])
    bl = lax.bitcast_convert_type(m_l, jnp.int32)
    br = lax.bitcast_convert_type(m_r, jnp.int32)
    hi_l = lax.shift_right_logical(bl, 16)
    hi_r = lax.shift_right_logical(br, 16)
    b15_l = lax.shift_right_logical(bl, 15) & 1
    take_l = (hi_l < hi_r) | ((hi_l == hi_r) & (b15_l == 0))
    idx_ref[...] = jnp.where(take_l, i_l, i_r)


def _argmin_call(xsq, flat, embt, esq):
    n_tok, d_model = flat.shape
    ncode = embt.shape[1]
    t = _TOK_BLOCK
    grid = n_tok // t
    return pl.pallas_call(
        _argmin_body,
        grid=(grid,),
        in_specs=[
            pl.BlockSpec((t, 1), lambda i: (i, 0)),
            pl.BlockSpec((t, d_model), lambda i: (i, 0)),
            pl.BlockSpec((d_model, ncode), lambda i: (0, 0)),
            pl.BlockSpec((1, ncode), lambda i: (0, 0)),
        ],
        out_specs=pl.BlockSpec((t,), lambda i: (i,)),
        out_shape=jax.ShapeDtypeStruct((n_tok,), jnp.int32),
    )(xsq, flat, embt, esq)


def _sc_gather(embp, idx3, flat):
    info = plsc.get_sparse_core_info()
    nc, ns, lanes = info.num_cores, info.num_subcores, info.num_lanes
    nw = nc * ns
    b, d_model = flat.shape
    rowp = embp.shape[1]
    bpw = b // nw
    nch = idx3.shape[1]
    chw = idx3.shape[2]
    mesh = plsc.VectorSubcoreMesh(core_axis_name="c", subcore_axis_name="s")

    @functools.partial(
        pl.kernel,
        mesh=mesh,
        out_type=[
            jax.ShapeDtypeStruct((b, d_model), jnp.float32),
            jax.ShapeDtypeStruct((nw, lanes), jnp.float32),
        ],
        scratch_types=[
            pltpu.VMEM((nch, chw), jnp.int32),
            pltpu.VMEM((2, chw, rowp), jnp.float32),
            pltpu.VMEM((bpw, d_model), jnp.float32),
            pltpu.VMEM((lanes,), jnp.float32),
            pltpu.SemaphoreType.DMA,
            pltpu.SemaphoreType.DMA,
        ],
    )
    def body(emb_hbm, idx_hbm, x_hbm, out_hbm, loss_hbm,
             idx_v, rows_v, x_v, loss_v, sem0, sem1):
        wid = lax.axis_index("s") * nc + lax.axis_index("c")
        base = wid * bpw
        sems = (sem0, sem1)
        pltpu.sync_copy(idx_hbm.at[wid], idx_v)
        pltpu.sync_copy(x_hbm.at[pl.ds(base, bpw)], x_v)

        def fire(ch):
            return pltpu.async_copy(emb_hbm.at[idx_v.at[ch]],
                                    rows_v.at[ch % 2], sems[ch % 2])

        nvec = d_model // lanes
        zero = jnp.zeros((lanes,), jnp.float32)
        acc = (zero,) * nvec
        handles = {0: fire(0)}
        for ch in range(nch):
            if ch + 1 < nch:
                handles[ch + 1] = fire(ch + 1)
            handles[ch].wait()
            buf = ch % 2

            def tok_body(r, a, _ch=ch, _buf=buf):
                new = []
                for j in range(nvec):
                    e = rows_v[_buf, r, pl.ds(j * lanes, lanes)]
                    xv = x_v[_ch * chw + r, pl.ds(j * lanes, lanes)]
                    diff = e - xv
                    x_v[_ch * chw + r, pl.ds(j * lanes, lanes)] = xv + diff
                    new.append(a[j] + diff * diff)
                return tuple(new)

            acc = lax.fori_loop(0, chw, tok_body, acc)
        tot = acc[0]
        for j in range(1, nvec):
            tot = tot + acc[j]
        loss_v[...] = tot
        pltpu.sync_copy(x_v, out_hbm.at[pl.ds(base, bpw)])
        pltpu.sync_copy(loss_v, loss_hbm.at[wid])

    return body(embp, idx3, flat)


def kernel(x, emb):
    d_model = x.shape[-1]
    flat = x.reshape(-1, d_model)
    n_tok = flat.shape[0]
    xsq = jnp.sum(flat ** 2, axis=1, keepdims=True)
    esq = jnp.sum(emb ** 2, axis=1)[None, :]
    embt = emb.T
    idx_flat = _argmin_call(xsq, flat, embt, esq)

    nw = 32
    chw = 128
    idx3 = idx_flat.reshape(nw, n_tok // (nw * chw), chw)
    embp = jnp.pad(emb, ((0, 0), (0, 128 - d_model)))
    out_flat, loss_parts = _sc_gather(embp, idx3, flat)
    loss = jnp.sum(loss_parts) / (n_tok * d_model)
    return out_flat.reshape(x.shape), idx_flat.reshape(x.shape[:2]), loss

# --- scband reference (transcript-rebuilt; emitter-appended) ---
"""Pipeline reference for scband-vector-quantizer-5935644803167 (READ-ONLY COPY).

The authoritative reference and input builder live on the scoring server;
editing this copy changes nothing except your own understanding.
"""

import jax, jax.numpy as jnp
import numpy as np

def setup_inputs(seed: int = 0) -> dict:
    key = jax.random.key(seed)
    k1, k2 = jax.random.split(key)
    n, d = 8192, 32
    x = jax.random.normal(k1, (16, 1024, d), dtype=jnp.float32)
    emb = jax.random.uniform(k2, (n, d), minval=-1.0 / n, maxval=1.0 / n, dtype=jnp.float32)
    return {"x": x, "emb": emb}

def reference(x, emb):
    flat = x.reshape(-1, x.shape[-1])
    dist = jnp.sum(flat ** 2, axis=1, keepdims=True) - 2.0 * flat @ emb.T + jnp.sum(emb ** 2, axis=1)
    idx = jnp.argmin(dist, axis=1)
    quant = jnp.take(emb, idx, axis=0).reshape(x.shape)
    loss = jnp.mean((jax.lax.stop_gradient(quant) - x) ** 2)
    out = x + jax.lax.stop_gradient(quant - x)
    return out, idx.reshape(x.shape[:2]), loss

if __name__ == "__main__":
    import jax
    _d = setup_inputs()
    print(jax.jit(kernel)(*tuple(_d.values())))

</pallas_src>

<mosaic_0001>
#map = affine_map<(d0, d1) -> (0, 0)>
#map1 = affine_map<(d0, d1) -> (0, 0, 0)>
module attributes {stable_mosaic.version = 14 : i64} {
  func.func @body(%arg0: i32, %arg1: i32, %arg2: memref<8192x128xf32, #tpu.memory_space<hbm>>, %arg3: memref<32x4x128xi32, #tpu.memory_space<hbm>>, %arg4: memref<16384x32xf32, #tpu.memory_space<hbm>>, %arg5: memref<16384x32xf32, #tpu.memory_space<hbm>>, %arg6: memref<32x16xf32, #tpu.memory_space<hbm>>, %arg7: memref<4x128xi32, #tpu.memory_space<vmem>>, %arg8: memref<2x128x128xf32, #tpu.memory_space<vmem>>, %arg9: memref<512x32xf32, #tpu.memory_space<vmem>>, %arg10: memref<16xf32, #tpu.memory_space<vmem>>, %arg11: memref<!tpu.dma_semaphore, #tpu.memory_space<semaphore_mem>>, %arg12: memref<!tpu.dma_semaphore, #tpu.memory_space<semaphore_mem>>) attributes {dimension_semantics = [#tpu.dimension_semantics<core_parallel>, #tpu.dimension_semantics<subcore_parallel>], iteration_bounds = array<i64: 2, 16>, scalar_prefetch = 0 : i64, scratch_operands = 6 : i64, tpu.core_type = #tpu.core_type<sc_vector_subcore>, window_params = [{transform_indices = #map}, {transform_indices = #map1}, {transform_indices = #map}, {transform_indices = #map}, {transform_indices = #map}]} {
    %mul3A = arith.constant 2 : i32
    %mul3A_0 = arith.muli %arg1, %mul3A : i32
    %add3A = arith.addi %mul3A_0, %arg0 : i32
    %mul3A_1 = arith.constant 512 : i32
    %mul3A_2 = arith.muli %add3A, %mul3A_1 : i32
    "tpu.region"() ({
      %run_scoped3A = tpu.sem_alloc : memref<!tpu.dma_semaphore, #tpu.memory_space<semaphore_mem>>
      %dma_start3A_125 = arith.constant 0 : i32
      %dma_start3A_126 = arith.constant 0 : i32
      %dma_start3A_127 = tpu.memref_slice %arg3[%add3A, %dma_start3A_125, %dma_start3A_126] : memref<32x4x128xi32, #tpu.memory_space<hbm>> -> memref<1x4x128xi32, #tpu.memory_space<hbm>>
      %dma_start3A_128 = tpu.memref_squeeze %dma_start3A_127 : memref<1x4x128xi32, #tpu.memory_space<hbm>> -> memref<4x128xi32, #tpu.memory_space<hbm>>
      %dma_start3A_129 = arith.constant 0 : i32
      %dma_start3A_130 = arith.constant 0 : i32
      %dma_start3A_131 = tpu.memref_slice %arg3[%add3A, %dma_start3A_129, %dma_start3A_130] : memref<32x4x128xi32, #tpu.memory_space<hbm>> -> memref<1x4x128xi32, #tpu.memory_space<hbm>>
      %dma_start3A_132 = tpu.memref_squeeze %dma_start3A_131 : memref<1x4x128xi32, #tpu.memory_space<hbm>> -> memref<4x128xi32, #tpu.memory_space<hbm>>
      tpu.enqueue_dma source(%dma_start3A_132 : memref<4x128xi32, #tpu.memory_space<hbm>>) target(%arg7 : memref<4x128xi32, #tpu.memory_space<vmem>>) target_semaphore(%run_scoped3A : memref<!tpu.dma_semaphore, #tpu.memory_space<semaphore_mem>>)
      %dma_wait3A_133 = arith.constant 0 : i32
      %dma_wait3A_134 = arith.constant 0 : i32
      %dma_wait3A_135 = tpu.memref_slice %arg3[%add3A, %dma_wait3A_133, %dma_wait3A_134] : memref<32x4x128xi32, #tpu.memory_space<hbm>> -> memref<1x4x128xi32, #tpu.memory_space<hbm>>
      %dma_wait3A_136 = tpu.memref_squeeze %dma_wait3A_135 : memref<1x4x128xi32, #tpu.memory_space<hbm>> -> memref<4x128xi32, #tpu.memory_space<hbm>>
      %dma_wait3A_137 = arith.constant 0 : i32
      %dma_wait3A_138 = arith.constant 0 : i32
      %dma_wait3A_139 = tpu.memref_slice %arg3[%add3A, %dma_wait3A_137, %dma_wait3A_138] : memref<32x4x128xi32, #tpu.memory_space<hbm>> -> memref<1x4x128xi32, #tpu.memory_space<hbm>>
      %dma_wait3A_140 = tpu.memref_squeeze %dma_wait3A_139 : memref<1x4x128xi32, #tpu.memory_space<hbm>> -> memref<4x128xi32, #tpu.memory_space<hbm>>
      tpu.wait_dma2 semaphore(%run_scoped3A : memref<!tpu.dma_semaphore, #tpu.memory_space<semaphore_mem>>) src(%dma_wait3A_140 : memref<4x128xi32, #tpu.memory_space<hbm>>) dst(%arg7 : memref<4x128xi32, #tpu.memory_space<vmem>>)
      tpu.yield
    }) : () -> ()
    "tpu.region"() ({
      %run_scoped3A = tpu.sem_alloc : memref<!tpu.dma_semaphore, #tpu.memory_space<semaphore_mem>>
      %dma_start3A_125 = arith.constant 0 : i32
      %dma_start3A_126 = tpu.memref_slice %arg4[%mul3A_2, %dma_start3A_125] : memref<16384x32xf32, #tpu.memory_space<hbm>> -> memref<512x32xf32, #tpu.memory_space<hbm>>
      %dma_start3A_127 = arith.constant 0 : i32
      %dma_start3A_128 = tpu.memref_slice %arg4[%mul3A_2, %dma_start3A_127] : memref<16384x32xf32, #tpu.memory_space<hbm>> -> memref<512x32xf32, #tpu.memory_space<hbm>>
      tpu.enqueue_dma source(%dma_start3A_128 : memref<512x32xf32, #tpu.memory_space<hbm>>) target(%arg9 : memref<512x32xf32, #tpu.memory_space<vmem>>) target_semaphore(%run_scoped3A : memref<!tpu.dma_semaphore, #tpu.memory_space<semaphore_mem>>)
      %dma_wait3A_129 = arith.constant 0 : i32
      %dma_wait3A_130 = tpu.memref_slice %arg4[%mul3A_2, %dma_wait3A_129] : memref<16384x32xf32, #tpu.memory_space<hbm>> -> memref<512x32xf32, #tpu.memory_space<hbm>>
      %dma_wait3A_131 = arith.constant 0 : i32
      %dma_wait3A_132 = tpu.memref_slice %arg4[%mul3A_2, %dma_wait3A_131] : memref<16384x32xf32, #tpu.memory_space<hbm>> -> memref<512x32xf32, #tpu.memory_space<hbm>>
      tpu.wait_dma2 semaphore(%run_scoped3A : memref<!tpu.dma_semaphore, #tpu.memory_space<semaphore_mem>>) src(%dma_wait3A_132 : memref<512x32xf32, #tpu.memory_space<hbm>>) dst(%arg9 : memref<512x32xf32, #tpu.memory_space<vmem>>)
      tpu.yield
    }) : () -> ()
    %broadcast_in_dim3A = arith.constant 0.000000e+00 : f32
    %broadcast_in_dim3A_3 = vector.broadcast %broadcast_in_dim3A : f32 to vector<16xf32>
    %dma_start3A = arith.constant 0 : i32
    %dma_start3A_4 = arith.constant 0 : i32
    %dma_start3A_5 = arith.constant 0 : i32
    %dma_start3A_6 = arith.constant 0 : i32
    %dma_start3A_7 = tpu.memref_slice %arg8[%dma_start3A_4, %dma_start3A_5, %dma_start3A_6] : memref<2x128x128xf32, #tpu.memory_space<vmem>> -> memref<1x128x128xf32, #tpu.memory_space<vmem>>
    %dma_start3A_8 = tpu.memref_squeeze %dma_start3A_7 : memref<1x128x128xf32, #tpu.memory_space<vmem>> -> memref<128x128xf32, #tpu.memory_space<vmem>>
    %dma_start3A_9 = arith.constant 0 : i32
    %dma_start3A_10 = tpu.memref_slice %arg7[%dma_start3A, %dma_start3A_9] : memref<4x128xi32, #tpu.memory_space<vmem>> -> memref<1x128xi32, #tpu.memory_space<vmem>>
    %dma_start3A_11 = tpu.memref_squeeze %dma_start3A_10 : memref<1x128xi32, #tpu.memory_space<vmem>> -> memref<128xi32, #tpu.memory_space<vmem>>
    %dma_start3A_12 = arith.constant 0 : i32
    %dma_start3A_13 = arith.constant 0 : i32
    %dma_start3A_14 = tpu.memref_slice %arg2[%dma_start3A_12, %dma_start3A_13] : memref<8192x128xf32, #tpu.memory_space<hbm>> -> memref<8192x128xf32, #tpu.memory_space<hbm>>
    tpu.enqueue_indirect_dma source(%dma_start3A_14 : memref<8192x128xf32, #tpu.memory_space<hbm>>) target(%dma_start3A_8 : memref<128x128xf32, #tpu.memory_space<vmem>>) offsets(%dma_start3A_11 : memref<128xi32, #tpu.memory_space<vmem>>) semaphore(%arg11 : memref<!tpu.dma_semaphore, #tpu.memory_space<semaphore_mem>>)
    %dma_start3A_15 = arith.constant 1 : i32
    %dma_start3A_16 = arith.constant 1 : i32
    %dma_start3A_17 = arith.constant 0 : i32
    %dma_start3A_18 = arith.constant 0 : i32
    %dma_start3A_19 = tpu.memref_slice %arg8[%dma_start3A_16, %dma_start3A_17, %dma_start3A_18] : memref<2x128x128xf32, #tpu.memory_space<vmem>> -> memref<1x128x128xf32, #tpu.memory_space<vmem>>
    %dma_start3A_20 = tpu.memref_squeeze %dma_start3A_19 : memref<1x128x128xf32, #tpu.memory_space<vmem>> -> memref<128x128xf32, #tpu.memory_space<vmem>>
    %dma_start3A_21 = arith.constant 0 : i32
    %dma_start3A_22 = tpu.memref_slice %arg7[%dma_start3A_15, %dma_start3A_21] : memref<4x128xi32, #tpu.memory_space<vmem>> -> memref<1x128xi32, #tpu.memory_space<vmem>>
    %dma_start3A_23 = tpu.memref_squeeze %dma_start3A_22 : memref<1x128xi32, #tpu.memory_space<vmem>> -> memref<128xi32, #tpu.memory_space<vmem>>
    %dma_start3A_24 = arith.constant 0 : i32
    %dma_start3A_25 = arith.constant 0 : i32
    %dma_start3A_26 = tpu.memref_slice %arg2[%dma_start3A_24, %dma_start3A_25] : memref<8192x128xf32, #tpu.memory_space<hbm>> -> memref<8192x128xf32, #tpu.memory_space<hbm>>
    tpu.enqueue_indirect_dma source(%dma_start3A_26 : memref<8192x128xf32, #tpu.memory_space<hbm>>) target(%dma_start3A_20 : memref<128x128xf32, #tpu.memory_space<vmem>>) offsets(%dma_start3A_23 : memref<128xi32, #tpu.memory_space<vmem>>) semaphore(%arg12 : memref<!tpu.dma_semaphore, #tpu.memory_space<semaphore_mem>>)
    %dma_wait3A = arith.constant 0 : i32
    %dma_wait3A_27 = arith.constant 0 : i32
    %dma_wait3A_28 = arith.constant 0 : i32
    %dma_wait3A_29 = arith.constant 0 : i32
    %dma_wait3A_30 = tpu.memref_slice %arg8[%dma_wait3A_27, %dma_wait3A_28, %dma_wait3A_29] : memref<2x128x128xf32, #tpu.memory_space<vmem>> -> memref<1x128x128xf32, #tpu.memory_space<vmem>>
    %dma_wait3A_31 = tpu.memref_squeeze %dma_wait3A_30 : memref<1x128x128xf32, #tpu.memory_space<vmem>> -> memref<128x128xf32, #tpu.memory_space<vmem>>
    %dma_wait3A_32 = arith.constant 0 : i32
    %dma_wait3A_33 = tpu.memref_slice %arg7[%dma_wait3A, %dma_wait3A_32] : memref<4x128xi32, #tpu.memory_space<vmem>> -> memref<1x128xi32, #tpu.memory_space<vmem>>
    %dma_wait3A_34 = tpu.memref_squeeze %dma_wait3A_33 : memref<1x128xi32, #tpu.memory_space<vmem>> -> memref<128xi32, #tpu.memory_space<vmem>>
    %dma_wait3A_35 = arith.constant 0 : i32
    %dma_wait3A_36 = arith.constant 0 : i32
    %dma_wait3A_37 = tpu.memref_slice %arg2[%dma_wait3A_35, %dma_wait3A_36] : memref<8192x128xf32, #tpu.memory_space<hbm>> -> memref<8192x128xf32, #tpu.memory_space<hbm>>
    tpu.wait_indirect_dma semaphore(%arg11 : memref<!tpu.dma_semaphore, #tpu.memory_space<semaphore_mem>>) src(%dma_wait3A_37 : memref<8192x128xf32, #tpu.memory_space<hbm>>) dst(%dma_wait3A_31 : memref<128x128xf32, #tpu.memory_space<vmem>>)
    %scan3A = arith.constant 0 : i32
    %scan3A_38 = arith.constant 128 : i32
    %scan3A_39 = arith.addi %scan3A, %scan3A_38 : i32
    %scan3A_40 = arith.constant 1 : i32
    %scan3A_41:2 = scf.for %scan3A_125 = %scan3A to %scan3A_39 step %scan3A_40 iter_args(%scan3A_126 = %broadcast_in_dim3A_3, %scan3A_127 = %broadcast_in_dim3A_3) -> (vector<16xf32>, vector<16xf32>)  : i32 {
      %get3A = arith.constant 0 : i32
      %get3A_128 = arith.index_cast %get3A : i32 to index
      %get3A_129 = arith.index_cast %scan3A_125 : i32 to index
      %get3A_130 = arith.constant 0 : index
      %get3A_131 = tpu.vector_load %arg8[%get3A_128, %get3A_129, %get3A_130] {strides = array<i32>} : memref<2x128x128xf32, #tpu.memory_space<vmem>>, vector<1x1x16xf32>,
      %get3A_132 = vector.shape_cast %get3A_131 : vector<1x1x16xf32> to vector<16xf32>
      %add3A_133 = arith.constant 0 : i32
      %add3A_134 = arith.addi %add3A_133, %scan3A_125 : i32
      %get3A_135 = arith.index_cast %add3A_134 : i32 to index
      %get3A_136 = arith.constant 0 : index
      %get3A_137 = tpu.vector_load %arg9[%get3A_135, %get3A_136] {strides = array<i32>} : memref<512x32xf32, #tpu.memory_space<vmem>>, vector<1x16xf32>,
      %get3A_138 = vector.shape_cast %get3A_137 : vector<1x16xf32> to vector<16xf32>
      %sub3A = arith.subf %get3A_132, %get3A_138 : vector<16xf32>
      %add3A_139 = arith.addf %get3A_138, %sub3A : vector<16xf32>
      %add3A_140 = arith.constant 0 : i32
      %add3A_141 = arith.addi %add3A_140, %scan3A_125 : i32
      %swap3A_142 = arith.index_cast %add3A_141 : i32 to index
      %swap3A_143 = arith.constant 0 : index
      %swap3A_144 = tpu.vector_load %arg9[%swap3A_142, %swap3A_143] {strides = array<i32>} : memref<512x32xf32, #tpu.memory_space<vmem>>, vector<1x16xf32>,
      %swap3A_145 = vector.shape_cast %swap3A_144 : vector<1x16xf32> to vector<16xf32>
      %swap3A_146 = vector.shape_cast %add3A_139 : vector<16xf32> to vector<1x16xf32>
      tpu.vector_store %arg9[%swap3A_142, %swap3A_143], %swap3A_146 {strides = array<i32>} : memref<512x32xf32, #tpu.memory_space<vmem>>, vector<1x16xf32>,
      %mul3A_147 = arith.mulf %sub3A, %sub3A : vector<16xf32>
      %add3A_148 = arith.addf %scan3A_126, %mul3A_147 : vector<16xf32>
      %get3A_149 = arith.constant 0 : i32
      %get3A_150 = arith.index_cast %get3A_149 : i32 to index
      %get3A_151 = arith.index_cast %scan3A_125 : i32 to index
      %get3A_152 = arith.constant 16 : index
      %get3A_153 = tpu.vector_load %arg8[%get3A_150, %get3A_151, %get3A_152] {strides = array<i32>} : memref<2x128x128xf32, #tpu.memory_space<vmem>>, vector<1x1x16xf32>,
      %get3A_154 = vector.shape_cast %get3A_153 : vector<1x1x16xf32> to vector<16xf32>
      %add3A_155 = arith.constant 0 : i32
      %add3A_156 = arith.addi %add3A_155, %scan3A_125 : i32
      %get3A_157 = arith.index_cast %add3A_156 : i32 to index
      %get3A_158 = arith.constant 16 : index
      %get3A_159 = tpu.vector_load %arg9[%get3A_157, %get3A_158] {strides = array<i32>} : memref<512x32xf32, #tpu.memory_space<vmem>>, vector<1x16xf32>,
      %get3A_160 = vector.shape_cast %get3A_159 : vector<1x16xf32> to vector<16xf32>
      %sub3A_161 = arith.subf %get3A_154, %get3A_160 : vector<16xf32>
      %add3A_162 = arith.addf %get3A_160, %sub3A_161 : vector<16xf32>
      %add3A_163 = arith.constant 0 : i32
      %add3A_164 = arith.addi %add3A_163, %scan3A_125 : i32
      %swap3A_165 = arith.index_cast %add3A_164 : i32 to index
      %swap3A_166 = arith.constant 16 : index
      %swap3A_167 = tpu.vector_load %arg9[%swap3A_165, %swap3A_166] {strides = array<i32>} : memref<512x32xf32, #tpu.memory_space<vmem>>, vector<1x16xf32>,
      %swap3A_168 = vector.shape_cast %swap3A_167 : vector<1x16xf32> to vector<16xf32>
      %swap3A_169 = vector.shape_cast %add3A_162 : vector<16xf32> to vector<1x16xf32>
      tpu.vector_store %arg9[%swap3A_165, %swap3A_166], %swap3A_169 {strides = array<i32>} : memref<512x32xf32, #tpu.memory_space<vmem>>, vector<1x16xf32>,
      %mul3A_170 = arith.mulf %sub3A_161, %sub3A_161 : vector<16xf32>
      %add3A_171 = arith.addf %scan3A_127, %mul3A_170 : vector<16xf32>
      scf.yield %add3A_148, %add3A_171 : vector<16xf32>, vector<16xf32>
    }
    %scan3A_42 = arith.constant 128 : i32
    %dma_start3A_43 = arith.constant 2 : i32
    %dma_start3A_44 = arith.constant 0 : i32
    %dma_start3A_45 = arith.constant 0 : i32
    %dma_start3A_46 = arith.constant 0 : i32
    %dma_start3A_47 = tpu.memref_slice %arg8[%dma_start3A_44, %dma_start3A_45, %dma_start3A_46] : memref<2x128x128xf32, #tpu.memory_space<vmem>> -> memref<1x128x128xf32, #tpu.memory_space<vmem>>
    %dma_start3A_48 = tpu.memref_squeeze %dma_start3A_47 : memref<1x128x128xf32, #tpu.memory_space<vmem>> -> memref<128x128xf32, #tpu.memory_space<vmem>>
    %dma_start3A_49 = arith.constant 0 : i32
    %dma_start3A_50 = tpu.memref_slice %arg7[%dma_start3A_43, %dma_start3A_49] : memref<4x128xi32, #tpu.memory_space<vmem>> -> memref<1x128xi32, #tpu.memory_space<vmem>>
    %dma_start3A_51 = tpu.memref_squeeze %dma_start3A_50 : memref<1x128xi32, #tpu.memory_space<vmem>> -> memref<128xi32, #tpu.memory_space<vmem>>
    %dma_start3A_52 = arith.constant 0 : i32
    %dma_start3A_53 = arith.constant 0 : i32
    %dma_start3A_54 = tpu.memref_slice %arg2[%dma_start3A_52, %dma_start3A_53] : memref<8192x128xf32, #tpu.memory_space<hbm>> -> memref<8192x128xf32, #tpu.memory_space<hbm>>
    tpu.enqueue_indirect_dma source(%dma_start3A_54 : memref<8192x128xf32, #tpu.memory_space<hbm>>) target(%dma_start3A_48 : memref<128x128xf32, #tpu.memory_space<vmem>>) offsets(%dma_start3A_51 : memref<128xi32, #tpu.memory_space<vmem>>) semaphore(%arg11 : memref<!tpu.dma_semaphore, #tpu.memory_space<semaphore_mem>>)
    %dma_wait3A_55 = arith.constant 1 : i32
    %dma_wait3A_56 = arith.constant 1 : i32
    %dma_wait3A_57 = arith.constant 0 : i32
    %dma_wait3A_58 = arith.constant 0 : i32
    %dma_wait3A_59 = tpu.memref_slice %arg8[%dma_wait3A_56, %dma_wait3A_57, %dma_wait3A_58] : memref<2x128x128xf32, #tpu.memory_space<vmem>> -> memref<1x128x128xf32, #tpu.memory_space<vmem>>
    %dma_wait3A_60 = tpu.memref_squeeze %dma_wait3A_59 : memref<1x128x128xf32, #tpu.memory_space<vmem>> -> memref<128x128xf32, #tpu.memory_space<vmem>>
    %dma_wait3A_61 = arith.constant 0 : i32
    %dma_wait3A_62 = tpu.memref_slice %arg7[%dma_wait3A_55, %dma_wait3A_61] : memref<4x128xi32, #tpu.memory_space<vmem>> -> memref<1x128xi32, #tpu.memory_space<vmem>>
    %dma_wait3A_63 = tpu.memref_squeeze %dma_wait3A_62 : memref<1x128xi32, #tpu.memory_space<vmem>> -> memref<128xi32, #tpu.memory_space<vmem>>
    %dma_wait3A_64 = arith.constant 0 : i32
    %dma_wait3A_65 = arith.constant 0 : i32
    %dma_wait3A_66 = tpu.memref_slice %arg2[%dma_wait3A_64, %dma_wait3A_65] : memref<8192x128xf32, #tpu.memory_space<hbm>> -> memref<8192x128xf32, #tpu.memory_space<hbm>>
    tpu.wait_indirect_dma semaphore(%arg12 : memref<!tpu.dma_semaphore, #tpu.memory_space<semaphore_mem>>) src(%dma_wait3A_66 : memref<8192x128xf32, #tpu.memory_space<hbm>>) dst(%dma_wait3A_60 : memref<128x128xf32, #tpu.memory_space<vmem>>)
    %scan3A_67 = arith.constant 0 : i32
    %scan3A_68 = arith.constant 128 : i32
    %scan3A_69 = arith.addi %scan3A_67, %scan3A_68 : i32
    %scan3A_70 = arith.constant 1 : i32
    %scan3A_71:2 = scf.for %scan3A_125 = %scan3A_67 to %scan3A_69 step %scan3A_70 iter_args(%scan3A_126 = %scan3A_41#0, %scan3A_127 = %scan3A_41#1) -> (vector<16xf32>, vector<16xf32>)  : i32 {
      %get3A = arith.constant 1 : i32
      %get3A_128 = arith.index_cast %get3A : i32 to index
      %get3A_129 = arith.index_cast %scan3A_125 : i32 to index
      %get3A_130 = arith.constant 0 : index
      %get3A_131 = tpu.vector_load %arg8[%get3A_128, %get3A_129, %get3A_130] {strides = array<i32>} : memref<2x128x128xf32, #tpu.memory_space<vmem>>, vector<1x1x16xf32>,
      %get3A_132 = vector.shape_cast %get3A_131 : vector<1x1x16xf32> to vector<16xf32>
      %add3A_133 = arith.constant 128 : i32
      %add3A_134 = arith.addi %add3A_133, %scan3A_125 : i32
      %get3A_135 = arith.index_cast %add3A_134 : i32 to index
      %get3A_136 = arith.constant 0 : index
      %get3A_137 = tpu.vector_load %arg9[%get3A_135, %get3A_136] {strides = array<i32>} : memref<512x32xf32, #tpu.memory_space<vmem>>, vector<1x16xf32>,
      %get3A_138 = vector.shape_cast %get3A_137 : vector<1x16xf32> to vector<16xf32>
      %sub3A = arith.subf %get3A_132, %get3A_138 : vector<16xf32>
      %add3A_139 = arith.addf %get3A_138, %sub3A : vector<16xf32>
      %add3A_140 = arith.constant 128 : i32
      %add3A_141 = arith.addi %add3A_140, %scan3A_125 : i32
      %swap3A_142 = arith.index_cast %add3A_141 : i32 to index
      %swap3A_143 = arith.constant 0 : index
      %swap3A_144 = tpu.vector_load %arg9[%swap3A_142, %swap3A_143] {strides = array<i32>} : memref<512x32xf32, #tpu.memory_space<vmem>>, vector<1x16xf32>,
      %swap3A_145 = vector.shape_cast %swap3A_144 : vector<1x16xf32> to vector<16xf32>
      %swap3A_146 = vector.shape_cast %add3A_139 : vector<16xf32> to vector<1x16xf32>
      tpu.vector_store %arg9[%swap3A_142, %swap3A_143], %swap3A_146 {strides = array<i32>} : memref<512x32xf32, #tpu.memory_space<vmem>>, vector<1x16xf32>,
      %mul3A_147 = arith.mulf %sub3A, %sub3A : vector<16xf32>
      %add3A_148 = arith.addf %scan3A_126, %mul3A_147 : vector<16xf32>
      %get3A_149 = arith.constant 1 : i32
      %get3A_150 = arith.index_cast %get3A_149 : i32 to index
      %get3A_151 = arith.index_cast %scan3A_125 : i32 to index
      %get3A_152 = arith.constant 16 : index
      %get3A_153 = tpu.vector_load %arg8[%get3A_150, %get3A_151, %get3A_152] {strides = array<i32>} : memref<2x128x128xf32, #tpu.memory_space<vmem>>, vector<1x1x16xf32>,
      %get3A_154 = vector.shape_cast %get3A_153 : vector<1x1x16xf32> to vector<16xf32>
      %add3A_155 = arith.constant 128 : i32
      %add3A_156 = arith.addi %add3A_155, %scan3A_125 : i32
      %get3A_157 = arith.index_cast %add3A_156 : i32 to index
      %get3A_158 = arith.constant 16 : index
      %get3A_159 = tpu.vector_load %arg9[%get3A_157, %get3A_158] {strides = array<i32>} : memref<512x32xf32, #tpu.memory_space<vmem>>, vector<1x16xf32>,
      %get3A_160 = vector.shape_cast %get3A_159 : vector<1x16xf32> to vector<16xf32>
      %sub3A_161 = arith.subf %get3A_154, %get3A_160 : vector<16xf32>
      %add3A_162 = arith.addf %get3A_160, %sub3A_161 : vector<16xf32>
      %add3A_163 = arith.constant 128 : i32
      %add3A_164 = arith.addi %add3A_163, %scan3A_125 : i32
      %swap3A_165 = arith.index_cast %add3A_164 : i32 to index
      %swap3A_166 = arith.constant 16 : index
      %swap3A_167 = tpu.vector_load %arg9[%swap3A_165, %swap3A_166] {strides = array<i32>} : memref<512x32xf32, #tpu.memory_space<vmem>>, vector<1x16xf32>,
      %swap3A_168 = vector.shape_cast %swap3A_167 : vector<1x16xf32> to vector<16xf32>
      %swap3A_169 = vector.shape_cast %add3A_162 : vector<16xf32> to vector<1x16xf32>
      tpu.vector_store %arg9[%swap3A_165, %swap3A_166], %swap3A_169 {strides = array<i32>} : memref<512x32xf32, #tpu.memory_space<vmem>>, vector<1x16xf32>,
      %mul3A_170 = arith.mulf %sub3A_161, %sub3A_161 : vector<16xf32>
      %add3A_171 = arith.addf %scan3A_127, %mul3A_170 : vector<16xf32>
      scf.yield %add3A_148, %add3A_171 : vector<16xf32>, vector<16xf32>
    }
    %scan3A_72 = arith.constant 128 : i32
    %dma_start3A_73 = arith.constant 3 : i32
    %dma_start3A_74 = arith.constant 1 : i32
    %dma_start3A_75 = arith.constant 0 : i32
    %dma_start3A_76 = arith.constant 0 : i32
    %dma_start3A_77 = tpu.memref_slice %arg8[%dma_start3A_74, %dma_start3A_75, %dma_start3A_76] : memref<2x128x128xf32, #tpu.memory_space<vmem>> -> memref<1x128x128xf32, #tpu.memory_space<vmem>>
    %dma_start3A_78 = tpu.memref_squeeze %dma_start3A_77 : memref<1x128x128xf32, #tpu.memory_space<vmem>> -> memref<128x128xf32, #tpu.memory_space<vmem>>
    %dma_start3A_79 = arith.constant 0 : i32
    %dma_start3A_80 = tpu.memref_slice %arg7[%dma_start3A_73, %dma_start3A_79] : memref<4x128xi32, #tpu.memory_space<vmem>> -> memref<1x128xi32, #tpu.memory_space<vmem>>
    %dma_start3A_81 = tpu.memref_squeeze %dma_start3A_80 : memref<1x128xi32, #tpu.memory_space<vmem>> -> memref<128xi32, #tpu.memory_space<vmem>>
    %dma_start3A_82 = arith.constant 0 : i32
    %dma_start3A_83 = arith.constant 0 : i32
    %dma_start3A_84 = tpu.memref_slice %arg2[%dma_start3A_82, %dma_start3A_83] : memref<8192x128xf32, #tpu.memory_space<hbm>> -> memref<8192x128xf32, #tpu.memory_space<hbm>>
    tpu.enqueue_indirect_dma source(%dma_start3A_84 : memref<8192x128xf32, #tpu.memory_space<hbm>>) target(%dma_start3A_78 : memref<128x128xf32, #tpu.memory_space<vmem>>) offsets(%dma_start3A_81 : memref<128xi32, #tpu.memory_space<vmem>>) semaphore(%arg12 : memref<!tpu.dma_semaphore, #tpu.memory_space<semaphore_mem>>)
    %dma_wait3A_85 = arith.constant 2 : i32
    %dma_wait3A_86 = arith.constant 0 : i32
    %dma_wait3A_87 = arith.constant 0 : i32
    %dma_wait3A_88 = arith.constant 0 : i32
    %dma_wait3A_89 = tpu.memref_slice %arg8[%dma_wait3A_86, %dma_wait3A_87, %dma_wait3A_88] : memref<2x128x128xf32, #tpu.memory_space<vmem>> -> memref<1x128x128xf32, #tpu.memory_space<vmem>>
    %dma_wait3A_90 = tpu.memref_squeeze %dma_wait3A_89 : memref<1x128x128xf32, #tpu.memory_space<vmem>> -> memref<128x128xf32, #tpu.memory_space<vmem>>
    %dma_wait3A_91 = arith.constant 0 : i32
    %dma_wait3A_92 = tpu.memref_slice %arg7[%dma_wait3A_85, %dma_wait3A_91] : memref<4x128xi32, #tpu.memory_space<vmem>> -> memref<1x128xi32, #tpu.memory_space<vmem>>
    %dma_wait3A_93 = tpu.memref_squeeze %dma_wait3A_92 : memref<1x128xi32, #tpu.memory_space<vmem>> -> memref<128xi32, #tpu.memory_space<vmem>>
    %dma_wait3A_94 = arith.constant 0 : i32
    %dma_wait3A_95 = arith.constant 0 : i32
    %dma_wait3A_96 = tpu.memref_slice %arg2[%dma_wait3A_94, %dma_wait3A_95] : memref<8192x128xf32, #tpu.memory_space<hbm>> -> memref<8192x128xf32, #tpu.memory_space<hbm>>
    tpu.wait_indirect_dma semaphore(%arg11 : memref<!tpu.dma_semaphore, #tpu.memory_space<semaphore_mem>>) src(%dma_wait3A_96 : memref<8192x128xf32, #tpu.memory_space<hbm>>) dst(%dma_wait3A_90 : memref<128x128xf32, #tpu.memory_space<vmem>>)
    %scan3A_97 = arith.constant 0 : i32
    %scan3A_98 = arith.constant 128 : i32
    %scan3A_99 = arith.addi %scan3A_97, %scan3A_98 : i32
    %scan3A_100 = arith.constant 1 : i32
    %scan3A_101:2 = scf.for %scan3A_125 = %scan3A_97 to %scan3A_99 step %scan3A_100 iter_args(%scan3A_126 = %scan3A_71#0, %scan3A_127 = %scan3A_71#1) -> (vector<16xf32>, vector<16xf32>)  : i32 {
      %get3A = arith.constant 0 : i32
      %get3A_128 = arith.index_cast %get3A : i32 to index
      %get3A_129 = arith.index_cast %scan3A_125 : i32 to index
      %get3A_130 = arith.constant 0 : index
      %get3A_131 = tpu.vector_load %arg8[%get3A_128, %get3A_129, %get3A_130] {strides = array<i32>} : memref<2x128x128xf32, #tpu.memory_space<vmem>>, vector<1x1x16xf32>,
      %get3A_132 = vector.shape_cast %get3A_131 : vector<1x1x16xf32> to vector<16xf32>
      %add3A_133 = arith.constant 256 : i32
      %add3A_134 = arith.addi %add3A_133, %scan3A_125 : i32
      %get3A_135 = arith.index_cast %add3A_134 : i32 to index
      %get3A_136 = arith.constant 0 : index
      %get3A_137 = tpu.vector_load %arg9[%get3A_135, %get3A_136] {strides = array<i32>} : memref<512x32xf32, #tpu.memory_space<vmem>>, vector<1x16xf32>,
      %get3A_138 = vector.shape_cast %get3A_137 : vector<1x16xf32> to vector<16xf32>
      %sub3A = arith.subf %get3A_132, %get3A_138 : vector<16xf32>
      %add3A_139 = arith.addf %get3A_138, %sub3A : vector<16xf32>
      %add3A_140 = arith.constant 256 : i32
      %add3A_141 = arith.addi %add3A_140, %scan3A_125 : i32
      %swap3A_142 = arith.index_cast %add3A_141 : i32 to index
      %swap3A_143 = arith.constant 0 : index
      %swap3A_144 = tpu.vector_load %arg9[%swap3A_142, %swap3A_143] {strides = array<i32>} : memref<512x32xf32, #tpu.memory_space<vmem>>, vector<1x16xf32>,
      %swap3A_145 = vector.shape_cast %swap3A_144 : vector<1x16xf32> to vector<16xf32>
      %swap3A_146 = vector.shape_cast %add3A_139 : vector<16xf32> to vector<1x16xf32>
      tpu.vector_store %arg9[%swap3A_142, %swap3A_143], %swap3A_146 {strides = array<i32>} : memref<512x32xf32, #tpu.memory_space<vmem>>, vector<1x16xf32>,
      %mul3A_147 = arith.mulf %sub3A, %sub3A : vector<16xf32>
      %add3A_148 = arith.addf %scan3A_126, %mul3A_147 : vector<16xf32>
      %get3A_149 = arith.constant 0 : i32
      %get3A_150 = arith.index_cast %get3A_149 : i32 to index
      %get3A_151 = arith.index_cast %scan3A_125 : i32 to index
      %get3A_152 = arith.constant 16 : index
      %get3A_153 = tpu.vector_load %arg8[%get3A_150, %get3A_151, %get3A_152] {strides = array<i32>} : memref<2x128x128xf32, #tpu.memory_space<vmem>>, vector<1x1x16xf32>,
      %get3A_154 = vector.shape_cast %get3A_153 : vector<1x1x16xf32> to vector<16xf32>
      %add3A_155 = arith.constant 256 : i32
      %add3A_156 = arith.addi %add3A_155, %scan3A_125 : i32
      %get3A_157 = arith.index_cast %add3A_156 : i32 to index
      %get3A_158 = arith.constant 16 : index
      %get3A_159 = tpu.vector_load %arg9[%get3A_157, %get3A_158] {strides = array<i32>} : memref<512x32xf32, #tpu.memory_space<vmem>>, vector<1x16xf32>,
      %get3A_160 = vector.shape_cast %get3A_159 : vector<1x16xf32> to vector<16xf32>
      %sub3A_161 = arith.subf %get3A_154, %get3A_160 : vector<16xf32>
      %add3A_162 = arith.addf %get3A_160, %sub3A_161 : vector<16xf32>
      %add3A_163 = arith.constant 256 : i32
      %add3A_164 = arith.addi %add3A_163, %scan3A_125 : i32
      %swap3A_165 = arith.index_cast %add3A_164 : i32 to index
      %swap3A_166 = arith.constant 16 : index
      %swap3A_167 = tpu.vector_load %arg9[%swap3A_165, %swap3A_166] {strides = array<i32>} : memref<512x32xf32, #tpu.memory_space<vmem>>, vector<1x16xf32>,
      %swap3A_168 = vector.shape_cast %swap3A_167 : vector<1x16xf32> to vector<16xf32>
      %swap3A_169 = vector.shape_cast %add3A_162 : vector<16xf32> to vector<1x16xf32>
      tpu.vector_store %arg9[%swap3A_165, %swap3A_166], %swap3A_169 {strides = array<i32>} : memref<512x32xf32, #tpu.memory_space<vmem>>, vector<1x16xf32>,
      %mul3A_170 = arith.mulf %sub3A_161, %sub3A_161 : vector<16xf32>
      %add3A_171 = arith.addf %scan3A_127, %mul3A_170 : vector<16xf32>
      scf.yield %add3A_148, %add3A_171 : vector<16xf32>, vector<16xf32>
    }
    %scan3A_102 = arith.constant 128 : i32
    %dma_wait3A_103 = arith.constant 3 : i32
    %dma_wait3A_104 = arith.constant 1 : i32
    %dma_wait3A_105 = arith.constant 0 : i32
    %dma_wait3A_106 = arith.constant 0 : i32
    %dma_wait3A_107 = tpu.memref_slice %arg8[%dma_wait3A_104, %dma_wait3A_105, %dma_wait3A_106] : memref<2x128x128xf32, #tpu.memory_space<vmem>> -> memref<1x128x128xf32, #tpu.memory_space<vmem>>
    %dma_wait3A_108 = tpu.memref_squeeze %dma_wait3A_107 : memref<1x128x128xf32, #tpu.memory_space<vmem>> -> memref<128x128xf32, #tpu.memory_space<vmem>>
    %dma_wait3A_109 = arith.constant 0 : i32
    %dma_wait3A_110 = tpu.memref_slice %arg7[%dma_wait3A_103, %dma_wait3A_109] : memref<4x128xi32, #tpu.memory_space<vmem>> -> memref<1x128xi32, #tpu.memory_space<vmem>>
    %dma_wait3A_111 = tpu.memref_squeeze %dma_wait3A_110 : memref<1x128xi32, #tpu.memory_space<vmem>> -> memref<128xi32, #tpu.memory_space<vmem>>
    %dma_wait3A_112 = arith.constant 0 : i32
    %dma_wait3A_113 = arith.constant 0 : i32
    %dma_wait3A_114 = tpu.memref_slice %arg2[%dma_wait3A_112, %dma_wait3A_113] : memref<8192x128xf32, #tpu.memory_space<hbm>> -> memref<8192x128xf32, #tpu.memory_space<hbm>>
    tpu.wait_indirect_dma semaphore(%arg12 : memref<!tpu.dma_semaphore, #tpu.memory_space<semaphore_mem>>) src(%dma_wait3A_114 : memref<8192x128xf32, #tpu.memory_space<hbm>>) dst(%dma_wait3A_108 : memref<128x128xf32, #tpu.memory_space<vmem>>)
    %scan3A_115 = arith.constant 0 : i32
    %scan3A_116 = arith.constant 128 : i32
    %scan3A_117 = arith.addi %scan3A_115, %scan3A_116 : i32
    %scan3A_118 = arith.constant 1 : i32
    %scan3A_119:2 = scf.for %scan3A_125 = %scan3A_115 to %scan3A_117 step %scan3A_118 iter_args(%scan3A_126 = %scan3A_101#0, %scan3A_127 = %scan3A_101#1) -> (vector<16xf32>, vector<16xf32>)  : i32 {
      %get3A = arith.constant 1 : i32
      %get3A_128 = arith.index_cast %get3A : i32 to index
      %get3A_129 = arith.index_cast %scan3A_125 : i32 to index
      %get3A_130 = arith.constant 0 : index
      %get3A_131 = tpu.vector_load %arg8[%get3A_128, %get3A_129, %get3A_130] {strides = array<i32>} : memref<2x128x128xf32, #tpu.memory_space<vmem>>, vector<1x1x16xf32>,
      %get3A_132 = vector.shape_cast %get3A_131 : vector<1x1x16xf32> to vector<16xf32>
      %add3A_133 = arith.constant 384 : i32
      %add3A_134 = arith.addi %add3A_133, %scan3A_125 : i32
      %get3A_135 = arith.index_cast %add3A_134 : i32 to index
      %get3A_136 = arith.constant 0 : index
      %get3A_137 = tpu.vector_load %arg9[%get3A_135, %get3A_136] {strides = array<i32>} : memref<512x32xf32, #tpu.memory_space<vmem>>, vector<1x16xf32>,
      %get3A_138 = vector.shape_cast %get3A_137 : vector<1x16xf32> to vector<16xf32>
      %sub3A = arith.subf %get3A_132, %get3A_138 : vector<16xf32>
      %add3A_139 = arith.addf %get3A_138, %sub3A : vector<16xf32>
      %add3A_140 = arith.constant 384 : i32
      %add3A_141 = arith.addi %add3A_140, %scan3A_125 : i32
      %swap3A_142 = arith.index_cast %add3A_141 : i32 to index
      %swap3A_143 = arith.constant 0 : index
      %swap3A_144 = tpu.vector_load %arg9[%swap3A_142, %swap3A_143] {strides = array<i32>} : memref<512x32xf32, #tpu.memory_space<vmem>>, vector<1x16xf32>,
      %swap3A_145 = vector.shape_cast %swap3A_144 : vector<1x16xf32> to vector<16xf32>
      %swap3A_146 = vector.shape_cast %add3A_139 : vector<16xf32> to vector<1x16xf32>
      tpu.vector_store %arg9[%swap3A_142, %swap3A_143], %swap3A_146 {strides = array<i32>} : memref<512x32xf32, #tpu.memory_space<vmem>>, vector<1x16xf32>,
      %mul3A_147 = arith.mulf %sub3A, %sub3A : vector<16xf32>
      %add3A_148 = arith.addf %scan3A_126, %mul3A_147 : vector<16xf32>
      %get3A_149 = arith.constant 1 : i32
      %get3A_150 = arith.index_cast %get3A_149 : i32 to index
      %get3A_151 = arith.index_cast %scan3A_125 : i32 to index
      %get3A_152 = arith.constant 16 : index
      %get3A_153 = tpu.vector_load %arg8[%get3A_150, %get3A_151, %get3A_152] {strides = array<i32>} : memref<2x128x128xf32, #tpu.memory_space<vmem>>, vector<1x1x16xf32>,
      %get3A_154 = vector.shape_cast %get3A_153 : vector<1x1x16xf32> to vector<16xf32>
      %add3A_155 = arith.constant 384 : i32
      %add3A_156 = arith.addi %add3A_155, %scan3A_125 : i32
      %get3A_157 = arith.index_cast %add3A_156 : i32 to index
      %get3A_158 = arith.constant 16 : index
      %get3A_159 = tpu.vector_load %arg9[%get3A_157, %get3A_158] {strides = array<i32>} : memref<512x32xf32, #tpu.memory_space<vmem>>, vector<1x16xf32>,
      %get3A_160 = vector.shape_cast %get3A_159 : vector<1x16xf32> to vector<16xf32>
      %sub3A_161 = arith.subf %get3A_154, %get3A_160 : vector<16xf32>
      %add3A_162 = arith.addf %get3A_160, %sub3A_161 : vector<16xf32>
      %add3A_163 = arith.constant 384 : i32
      %add3A_164 = arith.addi %add3A_163, %scan3A_125 : i32
      %swap3A_165 = arith.index_cast %add3A_164 : i32 to index
      %swap3A_166 = arith.constant 16 : index
      %swap3A_167 = tpu.vector_load %arg9[%swap3A_165, %swap3A_166] {strides = array<i32>} : memref<512x32xf32, #tpu.memory_space<vmem>>, vector<1x16xf32>,
      %swap3A_168 = vector.shape_cast %swap3A_167 : vector<1x16xf32> to vector<16xf32>
      %swap3A_169 = vector.shape_cast %add3A_162 : vector<16xf32> to vector<1x16xf32>
      tpu.vector_store %arg9[%swap3A_165, %swap3A_166], %swap3A_169 {strides = array<i32>} : memref<512x32xf32, #tpu.memory_space<vmem>>, vector<1x16xf32>,
      %mul3A_170 = arith.mulf %sub3A_161, %sub3A_161 : vector<16xf32>
      %add3A_171 = arith.addf %scan3A_127, %mul3A_170 : vector<16xf32>
      scf.yield %add3A_148, %add3A_171 : vector<16xf32>, vector<16xf32>
    }
    %scan3A_120 = arith.constant 128 : i32
    %add3A_121 = arith.addf %scan3A_119#0, %scan3A_119#1 : vector<16xf32>
    %swap3A = arith.constant 0 : index
    %swap3A_122 = tpu.vector_load %arg10[%swap3A] {strides = array<i32>} : memref<16xf32, #tpu.memory_space<vmem>>, vector<16xf32>,
    %swap3A_123 = vector.shape_cast %swap3A_122 : vector<16xf32> to vector<16xf32>
    %swap3A_124 = vector.shape_cast %add3A_121 : vector<16xf32> to vector<16xf32>
    tpu.vector_store %arg10[%swap3A], %swap3A_124 {strides = array<i32>} : memref<16xf32, #tpu.memory_space<vmem>>, vector<16xf32>,
    "tpu.region"() ({
      %run_scoped3A = tpu.sem_alloc : memref<!tpu.dma_semaphore, #tpu.memory_space<semaphore_mem>>
      %dma_start3A_125 = arith.constant 0 : i32
      %dma_start3A_126 = tpu.memref_slice %arg5[%mul3A_2, %dma_start3A_125] : memref<16384x32xf32, #tpu.memory_space<hbm>> -> memref<512x32xf32, #tpu.memory_space<hbm>>
      %dma_start3A_127 = arith.constant 0 : i32
      %dma_start3A_128 = tpu.memref_slice %arg5[%mul3A_2, %dma_start3A_127] : memref<16384x32xf32, #tpu.memory_space<hbm>> -> memref<512x32xf32, #tpu.memory_space<hbm>>
      tpu.enqueue_dma source(%arg9 : memref<512x32xf32, #tpu.memory_space<vmem>>) target(%dma_start3A_128 : memref<512x32xf32, #tpu.memory_space<hbm>>) target_semaphore(%run_scoped3A : memref<!tpu.dma_semaphore, #tpu.memory_space<semaphore_mem>>)
      %dma_wait3A_129 = arith.constant 0 : i32
      %dma_wait3A_130 = tpu.memref_slice %arg5[%mul3A_2, %dma_wait3A_129] : memref<16384x32xf32, #tpu.memory_space<hbm>> -> memref<512x32xf32, #tpu.memory_space<hbm>>
      %dma_wait3A_131 = arith.constant 0 : i32
      %dma_wait3A_132 = tpu.memref_slice %arg5[%mul3A_2, %dma_wait3A_131] : memref<16384x32xf32, #tpu.memory_space<hbm>> -> memref<512x32xf32, #tpu.memory_space<hbm>>
      tpu.wait_dma2 semaphore(%run_scoped3A : memref<!tpu.dma_semaphore, #tpu.memory_space<semaphore_mem>>) src(%arg9 : memref<512x32xf32, #tpu.memory_space<vmem>>) dst(%dma_wait3A_132 : memref<512x32xf32, #tpu.memory_space<hbm>>)
      tpu.yield
    }) : () -> ()
    "tpu.region"() ({
      %run_scoped3A = tpu.sem_alloc : memref<!tpu.dma_semaphore, #tpu.memory_space<semaphore_mem>>
      %dma_start3A_125 = arith.constant 0 : i32
      %dma_start3A_126 = tpu.memref_slice %arg6[%add3A, %dma_start3A_125] : memref<32x16xf32, #tpu.memory_space<hbm>> -> memref<1x16xf32, #tpu.memory_space<hbm>>
      %dma_start3A_127 = tpu.memref_squeeze %dma_start3A_126 : memref<1x16xf32, #tpu.memory_space<hbm>> -> memref<16xf32, #tpu.memory_space<hbm>>
      %dma_start3A_128 = arith.constant 0 : i32
      %dma_start3A_129 = tpu.memref_slice %arg6[%add3A, %dma_start3A_128] : memref<32x16xf32, #tpu.memory_space<hbm>> -> memref<1x16xf32, #tpu.memory_space<hbm>>
      %dma_start3A_130 = tpu.memref_squeeze %dma_start3A_129 : memref<1x16xf32, #tpu.memory_space<hbm>> -> memref<16xf32, #tpu.memory_space<hbm>>
      tpu.enqueue_dma source(%arg10 : memref<16xf32, #tpu.memory_space<vmem>>) target(%dma_start3A_130 : memref<16xf32, #tpu.memory_space<hbm>>) target_semaphore(%run_scoped3A : memref<!tpu.dma_semaphore, #tpu.memory_space<semaphore_mem>>)
      %dma_wait3A_131 = arith.constant 0 : i32
      %dma_wait3A_132 = tpu.memref_slice %arg6[%add3A, %dma_wait3A_131] : memref<32x16xf32, #tpu.memory_space<hbm>> -> memref<1x16xf32, #tpu.memory_space<hbm>>
      %dma_wait3A_133 = tpu.memref_squeeze %dma_wait3A_132 : memref<1x16xf32, #tpu.memory_space<hbm>> -> memref<16xf32, #tpu.memory_space<hbm>>
      %dma_wait3A_134 = arith.constant 0 : i32
      %dma_wait3A_135 = tpu.memref_slice %arg6[%add3A, %dma_wait3A_134] : memref<32x16xf32, #tpu.memory_space<hbm>> -> memref<1x16xf32, #tpu.memory_space<hbm>>
      %dma_wait3A_136 = tpu.memref_squeeze %dma_wait3A_135 : memref<1x16xf32, #tpu.memory_space<hbm>> -> memref<16xf32, #tpu.memory_space<hbm>>
      tpu.wait_dma2 semaphore(%run_scoped3A : memref<!tpu.dma_semaphore, #tpu.memory_space<semaphore_mem>>) src(%arg10 : memref<16xf32, #tpu.memory_space<vmem>>) dst(%dma_wait3A_136 : memref<16xf32, #tpu.memory_space<hbm>>)
      tpu.yield
    }) : () -> ()
    return
  }
}

module attributes {stable_mosaic.version = 14 : i64} {
  func.func @_argmin_body(%arg0: i32, %arg1: memref<1024x1xf32, #tpu.memory_space<vmem>>, %arg2: memref<1024x32xf32, #tpu.memory_space<vmem>>, %arg3: memref<32x8192xf32, #tpu.memory_space<vmem>>, %arg4: memref<1x8192xf32, #tpu.memory_space<vmem>>, %arg5: memref<1024xi32, #tpu.memory_space<vmem>>) attributes {dimension_semantics = [#tpu.dimension_semantics<arbitrary>], iteration_bounds = array<i64: 16>, scalar_prefetch = 0 : i64, scratch_operands = 0 : i64, tpu.core_type = #tpu.core_type<tc>, window_params = [{transform_indices = @transform_0, window_bounds = array<i64: 1024, 1>}, {transform_indices = @transform_1, window_bounds = array<i64: 1024, 32>}, {pipeline_mode = #tpu.pipeline_mode<synchronous>, transform_indices = @transform_2, window_bounds = array<i64: 32, 8192>}, {pipeline_mode = #tpu.pipeline_mode<synchronous>, transform_indices = @transform_3, window_bounds = array<i64: 1, 8192>}, {transform_indices = @transform_4, window_bounds = array<i64: 1024>}]} {
    %get3A = arith.constant 0 : index
    %get3A_0 = arith.constant 0 : index
    %get3A_1 = vector.load %arg2[%get3A, %get3A_0] : memref<1024x32xf32, #tpu.memory_space<vmem>>, vector<1024x32xf32>
    %mul3A = arith.constant 2.000000e+00 : f32
    %mul3A_2 = vector.broadcast %mul3A : f32 to vector<1024x32xf32>
    %mul3A_3 = arith.mulf %get3A_1, %mul3A_2 : vector<1024x32xf32>
    %get3A_4 = arith.constant 0 : index
    %get3A_5 = arith.constant 0 : index
    %get3A_6 = vector.load %arg3[%get3A_4, %get3A_5] : memref<32x8192xf32, #tpu.memory_space<vmem>>, vector<32x8192xf32>
    %dot_general3A = arith.constant dense<0.000000e+00> : vector<1024x8192xf32>
    %dot_general3A_7 = tpu.matmul %mul3A_3, %get3A_6, %dot_general3A {dimension_numbers = #tpu.dot_dimension_numbers<[1], [0], [0], [1], [0, 0, 1, 1], [], []>, transpose_lhs_hint = false} : vector<1024x32xf32>, vector<32x8192xf32>, vector<1024x8192xf32> -> vector<1024x8192xf32>
    %get3A_8 = arith.constant 0 : index
    %get3A_9 = arith.constant 0 : index
    %get3A_10 = vector.load %arg1[%get3A_8, %get3A_9] : memref<1024x1xf32, #tpu.memory_space<vmem>>, vector<1024x1xf32>
    %sub3A = vector.broadcast %get3A_10 : vector<1024x1xf32> to vector<1024x8192xf32>
    %sub3A_11 = arith.subf %sub3A, %dot_general3A_7 : vector<1024x8192xf32>
    %get3A_12 = arith.constant 0 : index
    %get3A_13 = arith.constant 0 : index
    %get3A_14 = vector.load %arg4[%get3A_12, %get3A_13] : memref<1x8192xf32, #tpu.memory_space<vmem>>, vector<1x8192xf32>
    %add3A = vector.broadcast %get3A_14 : vector<1x8192xf32> to vector<1024x8192xf32>
    %add3A_15 = arith.addf %sub3A_11, %add3A : vector<1024x8192xf32>
    %iota3A = tpu.iota {dimensions = array<i32: 1>} : vector<1x2048xi32>
    %slice3A = vector.extract_strided_slice %add3A_15 {offsets = [0, 0], sizes = [1024, 2048], strides = [1, 1]} : vector<1024x8192xf32> to vector<1024x2048xf32>
    %reduce_min3A = arith.constant dense<0x7F800000> : vector<1024xf32>
    %reduce_min3A_16 = vector.multi_reduction <minimumf>, %slice3A, %reduce_min3A [1] : vector<1024x2048xf32> to vector<1024xf32>
    %broadcast_in_dim3A = vector.shape_cast %reduce_min3A_16 : vector<1024xf32> to vector<1024x1xf32>
    %eq3A = vector.broadcast %broadcast_in_dim3A : vector<1024x1xf32> to vector<1024x2048xf32>
    %eq3A_17 = arith.cmpf oeq, %slice3A, %eq3A : vector<1024x2048xf32>
    %jit3A = arith.constant 8192 : i32
    %broadcast_in_dim3A_18 = vector.shape_cast %iota3A : vector<1x2048xi32> to vector<1x2048xi32>
    %broadcast_in_dim3A_19 = vector.broadcast %broadcast_in_dim3A_18 : vector<1x2048xi32> to vector<1024x2048xi32>
    %broadcast_in_dim3A_20 = vector.broadcast %jit3A : i32 to vector<1024x2048xi32>
    %select_n3A = arith.select %eq3A_17, %broadcast_in_dim3A_19, %broadcast_in_dim3A_20 : vector<1024x2048xi1>, vector<1024x2048xi32>
    %reduce_min3A_21 = arith.constant dense<2147483647> : vector<1024xi32>
    %reduce_min3A_22 = vector.multi_reduction <minsi>, %select_n3A, %reduce_min3A_21 [1] : vector<1024x2048xi32> to vector<1024xi32>
    %add3A_23 = arith.constant 0 : i32
    %add3A_24 = vector.broadcast %add3A_23 : i32 to vector<1024xi32>
    %add3A_25 = arith.addi %reduce_min3A_22, %add3A_24 : vector<1024xi32>
    %slice3A_26 = vector.extract_strided_slice %add3A_15 {offsets = [0, 2048], sizes = [1024, 2048], strides = [1, 1]} : vector<1024x8192xf32> to vector<1024x2048xf32>
    %reduce_min3A_27 = arith.constant dense<0x7F800000> : vector<1024xf32>
    %reduce_min3A_28 = vector.multi_reduction <minimumf>, %slice3A_26, %reduce_min3A_27 [1] : vector<1024x2048xf32> to vector<1024xf32>
    %broadcast_in_dim3A_29 = vector.shape_cast %reduce_min3A_28 : vector<1024xf32> to vector<1024x1xf32>
    %eq3A_30 = vector.broadcast %broadcast_in_dim3A_29 : vector<1024x1xf32> to vector<1024x2048xf32>
    %eq3A_31 = arith.cmpf oeq, %slice3A_26, %eq3A_30 : vector<1024x2048xf32>
    %jit3A_32 = arith.constant 8192 : i32
    %broadcast_in_dim3A_33 = vector.shape_cast %iota3A : vector<1x2048xi32> to vector<1x2048xi32>
    %broadcast_in_dim3A_34 = vector.broadcast %broadcast_in_dim3A_33 : vector<1x2048xi32> to vector<1024x2048xi32>
    %broadcast_in_dim3A_35 = vector.broadcast %jit3A_32 : i32 to vector<1024x2048xi32>
    %select_n3A_36 = arith.select %eq3A_31, %broadcast_in_dim3A_34, %broadcast_in_dim3A_35 : vector<1024x2048xi1>, vector<1024x2048xi32>
    %reduce_min3A_37 = arith.constant dense<2147483647> : vector<1024xi32>
    %reduce_min3A_38 = vector.multi_reduction <minsi>, %select_n3A_36, %reduce_min3A_37 [1] : vector<1024x2048xi32> to vector<1024xi32>
    %add3A_39 = arith.constant 2048 : i32
    %add3A_40 = vector.broadcast %add3A_39 : i32 to vector<1024xi32>
    %add3A_41 = arith.addi %reduce_min3A_38, %add3A_40 : vector<1024xi32>
    %slice3A_42 = vector.extract_strided_slice %add3A_15 {offsets = [0, 4096], sizes = [1024, 2048], strides = [1, 1]} : vector<1024x8192xf32> to vector<1024x2048xf32>
    %reduce_min3A_43 = arith.constant dense<0x7F800000> : vector<1024xf32>
    %reduce_min3A_44 = vector.multi_reduction <minimumf>, %slice3A_42, %reduce_min3A_43 [1] : vector<1024x2048xf32> to vector<1024xf32>
    %broadcast_in_dim3A_45 = vector.shape_cast %reduce_min3A_44 : vector<1024xf32> to vector<1024x1xf32>
    %eq3A_46 = vector.broadcast %broadcast_in_dim3A_45 : vector<1024x1xf32> to vector<1024x2048xf32>
    %eq3A_47 = arith.cmpf oeq, %slice3A_42, %eq3A_46 : vector<1024x2048xf32>
    %jit3A_48 = arith.constant 8192 : i32
    %broadcast_in_dim3A_49 = vector.shape_cast %iota3A : vector<1x2048xi32> to vector<1x2048xi32>
    %broadcast_in_dim3A_50 = vector.broadcast %broadcast_in_dim3A_49 : vector<1x2048xi32> to vector<1024x2048xi32>
    %broadcast_in_dim3A_51 = vector.broadcast %jit3A_48 : i32 to vector<1024x2048xi32>
    %select_n3A_52 = arith.select %eq3A_47, %broadcast_in_dim3A_50, %broadcast_in_dim3A_51 : vector<1024x2048xi1>, vector<1024x2048xi32>
    %reduce_min3A_53 = arith.constant dense<2147483647> : vector<1024xi32>
    %reduce_min3A_54 = vector.multi_reduction <minsi>, %select_n3A_52, %reduce_min3A_53 [1] : vector<1024x2048xi32> to vector<1024xi32>
    %add3A_55 = arith.constant 4096 : i32
    %add3A_56 = vector.broadcast %add3A_55 : i32 to vector<1024xi32>
    %add3A_57 = arith.addi %reduce_min3A_54, %add3A_56 : vector<1024xi32>
    %slice3A_58 = vector.extract_strided_slice %add3A_15 {offsets = [0, 6144], sizes = [1024, 2048], strides = [1, 1]} : vector<1024x8192xf32> to vector<1024x2048xf32>
    %reduce_min3A_59 = arith.constant dense<0x7F800000> : vector<1024xf32>
    %reduce_min3A_60 = vector.multi_reduction <minimumf>, %slice3A_58, %reduce_min3A_59 [1] : vector<1024x2048xf32> to vector<1024xf32>
    %broadcast_in_dim3A_61 = vector.shape_cast %reduce_min3A_60 : vector<1024xf32> to vector<1024x1xf32>
    %eq3A_62 = vector.broadcast %broadcast_in_dim3A_61 : vector<1024x1xf32> to vector<1024x2048xf32>
    %eq3A_63 = arith.cmpf oeq, %slice3A_58, %eq3A_62 : vector<1024x2048xf32>
    %jit3A_64 = arith.constant 8192 : i32
    %broadcast_in_dim3A_65 = vector.shape_cast %iota3A : vector<1x2048xi32> to vector<1x2048xi32>
    %broadcast_in_dim3A_66 = vector.broadcast %broadcast_in_dim3A_65 : vector<1x2048xi32> to vector<1024x2048xi32>
    %broadcast_in_dim3A_67 = vector.broadcast %jit3A_64 : i32 to vector<1024x2048xi32>
    %select_n3A_68 = arith.select %eq3A_63, %broadcast_in_dim3A_66, %broadcast_in_dim3A_67 : vector<1024x2048xi1>, vector<1024x2048xi32>
    %reduce_min3A_69 = arith.constant dense<2147483647> : vector<1024xi32>
    %reduce_min3A_70 = vector.multi_reduction <minsi>, %select_n3A_68, %reduce_min3A_69 [1] : vector<1024x2048xi32> to vector<1024xi32>
    %add3A_71 = arith.constant 6144 : i32
    %add3A_72 = vector.broadcast %add3A_71 : i32 to vector<1024xi32>
    %add3A_73 = arith.addi %reduce_min3A_70, %add3A_72 : vector<1024xi32>
    %lt3A = arith.cmpf olt, %reduce_min3A_28, %reduce_min3A_16 : vector<1024xf32>
    %select_n3A_74 = arith.select %lt3A, %reduce_min3A_28, %reduce_min3A_16 : vector<1024xi1>, vector<1024xf32>
    %select_n3A_75 = arith.select %lt3A, %add3A_41, %add3A_25 : vector<1024xi1>, vector<1024xi32>
    %lt3A_76 = arith.cmpf olt, %reduce_min3A_60, %reduce_min3A_44 : vector<1024xf32>
    %select_n3A_77 = arith.select %lt3A_76, %reduce_min3A_60, %reduce_min3A_44 : vector<1024xi1>, vector<1024xf32>
    %select_n3A_78 = arith.select %lt3A_76, %add3A_73, %add3A_57 : vector<1024xi1>, vector<1024xi32>
    %bitcast_convert_type3A = tpu.bitcast %select_n3A_74 : vector<1024xf32> -> vector<1024xi32>
    %bitcast_convert_type3A_79 = tpu.bitcast %select_n3A_77 : vector<1024xf32> -> vector<1024xi32>
    %shift_right_logical3A = arith.constant 16 : i32
    %shift_right_logical3A_80 = vector.broadcast %shift_right_logical3A : i32 to vector<1024xi32>
    %shift_right_logical3A_81 = arith.shrui %bitcast_convert_type3A, %shift_right_logical3A_80 : vector<1024xi32>
    %shift_right_logical3A_82 = arith.constant 16 : i32
    %shift_right_logical3A_83 = vector.broadcast %shift_right_logical3A_82 : i32 to vector<1024xi32>
    %shift_right_logical3A_84 = arith.shrui %bitcast_convert_type3A_79, %shift_right_logical3A_83 : vector<1024xi32>
    %shift_right_logical3A_85 = arith.constant 15 : i32
    %shift_right_logical3A_86 = vector.broadcast %shift_right_logical3A_85 : i32 to vector<1024xi32>
    %shift_right_logical3A_87 = arith.shrui %bitcast_convert_type3A, %shift_right_logical3A_86 : vector<1024xi32>
    %and3A = arith.constant 1 : i32
    %and3A_88 = vector.broadcast %and3A : i32 to vector<1024xi32>
    %and3A_89 = arith.andi %shift_right_logical3A_87, %and3A_88 : vector<1024xi32>
    %lt3A_90 = arith.cmpi slt, %shift_right_logical3A_81, %shift_right_logical3A_84 : vector<1024xi32>
    %eq3A_91 = arith.cmpi eq, %shift_right_logical3A_81, %shift_right_logical3A_84 : vector<1024xi32>
    %eq3A_92 = arith.constant 0 : i32
    %eq3A_93 = vector.broadcast %eq3A_92 : i32 to vector<1024xi32>
    %eq3A_94 = arith.cmpi eq, %and3A_89, %eq3A_93 : vector<1024xi32>
    %and3A_95 = arith.andi %eq3A_91, %eq3A_94 : vector<1024xi1>
    %or3A = arith.ori %lt3A_90, %and3A_95 : vector<1024xi1>
    %select_n3A_96 = arith.select %or3A, %select_n3A_75, %select_n3A_78 : vector<1024xi1>, vector<1024xi32>
    %swap3A = arith.constant 0 : index
    %swap3A_97 = vector.load %arg5[%swap3A] : memref<1024xi32, #tpu.memory_space<vmem>>, vector<1024xi32>
    tpu.vector_store %arg5[%swap3A], %select_n3A_96 {strides = array<i32>} : memref<1024xi32, #tpu.memory_space<vmem>>, vector<1024xi32>,
    return
  }
  func.func @transform_0(%arg0: i32) -> (i32, i32) {
    %c0_i32 = arith.constant 0 : i32
    %c0_i32_0 = arith.constant 0 : i32
    return %arg0, %c0_i32 : i32, i32
  }
  func.func @transform_1(%arg0: i32) -> (i32, i32) {
    %c0_i32 = arith.constant 0 : i32
    %c0_i32_0 = arith.constant 0 : i32
    return %arg0, %c0_i32 : i32, i32
  }
  func.func @transform_2(%arg0: i32) -> (i32, i32) {
    %c0_i32 = arith.constant 0 : i32
    %c0_i32_0 = arith.constant 0 : i32
    %c0_i32_1 = arith.constant 0 : i32
    return %c0_i32, %c0_i32_0 : i32, i32
  }
  func.func @transform_3(%arg0: i32) -> (i32, i32) {
    %c0_i32 = arith.constant 0 : i32
    %c0_i32_0 = arith.constant 0 : i32
    %c0_i32_1 = arith.constant 0 : i32
    return %c0_i32, %c0_i32_0 : i32, i32
  }
  func.func @transform_4(%arg0: i32) -> i32 {
    %c0_i32 = arith.constant 0 : i32
    return %arg0 : i32
  }
}

</mosaic_0001>

<sc_bundles>
// kernel: kernel.4.cloned.1.call-start
scs
__scs_entry_jumppad:
0x0: {  	(pc) =	sbr.rel $0x88, $3  }
0x1: {  	(tag) =	ssettag $0x0;
	lr =	simm.s32 $0x1  }
0x2: {  	[smem:$0x3F9F] =	sst lr;
	_ =	strace $0xD0000000  }
0x3: {  	_ = 	snop  }
0x4: {  	_ = 	snop  }
0x5: {  	_ = 	snop  }
0x6: {  	_ = 	snop  }
0x7: {  	_ = 	snop  }
__scs_overlays_trampoline_lowered:
0x8: {  	[smem:$0x3FAE] =	sst s0  }
0x9: {  	[smem:$0x3FAF] =	sst s1  }
0xa: {  	[smem:$0x3FB0] =	sst s2  }
0xb: {  	[smem:$0x3FB1] =	sst s3  }
0xc: {  	[smem:$0x3FB2] =	sst s4  }
0xd: {  	[smem:$0x3FB3] =	sst s5  }
0xe: {  	[smem:$0x3FB4] =	sst s6  }
0xf: {  	[smem:$0x3FB5] =	sst s7  }
0x10: {  	[smem:$0x3FB6] =	sst s8  }
0x11: {  	[smem:$0x3FB7] =	sst s9;
	s0 =	simm.s32 @!p0 $0x0  }
0x12: {  	s1 =	sld [smem:$0x3F9D];
	s0 =	simm.s32 @p0 $0x1  }
0x13: {  	[smem:$0x3FB8] =	sst s0;
	s0 =	simm.s32 @!p1 $0x0  }
0x14: {  	s2 =	sld [smem:$0x3F9C];
	s0 =	simm.s32 @p1 $0x1  }
0x15: {  	[smem:$0x3FB9] =	sst s0;
	s0 =	simm.s32 @!p2 $0x0  }
0x16: {  	s3 =	sld [smem:$0x3FDB];
	s0 =	simm.s32 @p2 $0x1  }
0x17: {  	s4 =	simm.s32 $0x1BF5;
	[smem:$0x3FBB] =	sst s0  }
0x18: {  	s0 =	sld [smem:$0x3F9E];
	_ =	swait.ge [sflag:s4], $0x0  }
0x19: {  	s7 =	sld [smem:$0x3F9F]  }
0x1a: {  	s8 =	sadd.s32 $0xFFFFE003, lr  }
0x1b: {  	s9 =	sadd.s32 $0xFFFFFEF7, lr;
	s5 =	simm.s32 $0xFFFFFFFF;
	p2 =	slt.u32 s8, $0xFFFFF086  }
0x1c: {  	p1 =	slt.u32 s9, $0xF7A;
	s5 =	simm.s32 @!p2 $0x0  }
0x1d: {  	s5 =	simm.s32 @p1 $0x1;
	p0 =	seq.s32 s7, s2  }
0x1e: {  	s7 =	smul.u32 @!p0 $0xF7A, s2;
	p2 =	seq.s32 @!p0 s5, $0x0  }
0x1f: {  	s9 =	smul.u32 $0xF7A, s1;
	s8 =	simm.s32 @!p0 $0x1BF5;
	p2 =	por !p2, p0  }
0x20: {  	[sflag:s8] =	ssyncset.s32 @!p0 $0xFFFFF086;
	s6 =	sadd.s32 @!p0 s3, s7;
	s7 =	simm.s32 @!p0 $0x108  }
0x21: {  	s3 =	sadd.s32 s3, s9;
	s6 =	sadd.s32 @!p0 $0x88, s6;
	s7 =	simm.s32 @p2 $0x1082  }
0x22: {  	[simem:s7], [sflag:s8] =	dma.local @!p0 [hbm:s6], $0xF7A  }
0x23: {  	s9 =	sor.u32 $0xD0000000, s2;
	s6 =	simm.s32 $0x108;
	_ =	swait.ge @!p0 [sflag:s8], $0x0  }
0x24: {  	s3 =	sadd.s32 $0x88, s3;
	s6 =	simm.s32 @!p1 $0x1082;
	[sflag:s4] =	ssyncset.s32 $0xFFFFF086  }
0x25: {  	[simem:s6], [sflag:s4] =	dma.local [hbm:s3], $0xF7A  }
0x26: {  	[smem:$0x3F9F] =	sst s1;
	(tag) =	ssettag s2;
	_ =	strace s9  }
0x27: {  	s1 =	sld [smem:$0x3FAF]  }
0x28: {  	s2 =	sld [smem:$0x3FB0]  }
0x29: {  	s4 =	sld [smem:$0x3FB2]  }
0x2a: {  	p0 =	seq.s32 s5, $0x0;
	s5 =	sld [smem:$0x3FB3]  }
0x2b: {  	s6 =	sld [smem:$0x3FB4]  }
0x2c: {  	s7 =	sld [smem:$0x3FB5]  }
0x2d: {  	s3 =	simm.s32 $0x108;
	s8 =	sld [smem:$0x3FB6]  }
0x2e: {  	s3 =	simm.s32 @!p0 $0x1082;
	s9 =	sld [smem:$0x3FB7]  }
0x2f: {  	lr =	sadd.s32 s0, s3;
	s0 =	sld [smem:$0x3FAE]  }
0x30: {  	s3 =	sld [smem:$0x3FB1]  }
0x31: {  	[smem:$0x3FBA] =	sst s10  }
0x32: {  	s10 =	sld [smem:$0x3FB8];
	_ =	sdelay $0x3  }
0x33: {  	p0 =	seq.s32 s10, $0x1;
	s10 =	sld [smem:$0x3FBA];
	_ =	sdelay $0x3  }
0x34: {  	[smem:$0x3FBA] =	sst s10  }
0x35: {  	s10 =	sld [smem:$0x3FB9];
	_ =	sdelay $0x3  }
0x36: {  	p1 =	seq.s32 s10, $0x1;
	s10 =	sld [smem:$0x3FBA];
	_ =	sdelay $0x3  }
0x37: {  	[smem:$0x3FBA] =	sst s10  }
0x38: {  	s10 =	sld [smem:$0x3FBB]  }
0x39: {  	_ = 	snop;
	(pc) =	sbr.ind lr, $3  }
0x3a: {  	_ = 	snop  }
0x3b: {  	_ = 	snop  }
0x3c: {  	p2 =	seq.s32 s10, $0x1;
	s10 =	sld [smem:$0x3FBA]  }
0x3d: {  	_ =	shalt  }
0x3e: {  	_ =	shalt  }
0x3f: {  	_ =	shalt  }
0x40: {  	_ =	shalt  }
0x41: {  	_ =	shalt  }
0x42: {  	_ =	shalt  }
0x43: {  	_ =	shalt  }
0x44: {  	_ =	shalt  }
0x45: {  	_ =	shalt  }
0x46: {  	_ =	shalt  }
0x47: {  	_ =	shalt  }
0x48: {  	_ =	shalt  }
0x49: {  	_ =	shalt  }
0x4a: {  	_ =	shalt  }
0x4b: {  	_ =	shalt  }
0x4c: {  	_ =	shalt  }
0x4d: {  	_ =	shalt  }
0x4e: {  	_ =	shalt  }
0x4f: {  	_ =	shalt  }
0x50: {  	_ =	shalt  }
0x51: {  	_ =	shalt  }
0x52: {  	_ =	shalt  }
0x53: {  	_ =	shalt  }
0x54: {  	_ =	shalt  }
0x55: {  	_ =	shalt  }
0x56: {  	_ =	shalt  }
0x57: {  	_ =	shalt  }
0x58: {  	_ =	shalt  }
0x59: {  	_ =	shalt  }
0x5a: {  	_ =	shalt  }
0x5b: {  	_ =	shalt  }
0x5c: {  	_ =	shalt  }
0x5d: {  	_ =	shalt  }
0x5e: {  	_ =	shalt  }
0x5f: {  	_ =	shalt  }
0x60: {  	_ =	shalt  }
0x61: {  	_ =	shalt  }
0x62: {  	_ =	shalt  }
0x63: {  	_ =	shalt  }
0x64: {  	_ =	shalt  }
0x65: {  	_ =	shalt  }
0x66: {  	_ =	shalt  }
0x67: {  	_ =	shalt  }
0x68: {  	_ =	shalt  }
0x69: {  	_ =	shalt  }
0x6a: {  	_ =	shalt  }
0x6b: {  	_ =	shalt  }
0x6c: {  	_ =	shalt  }
0x6d: {  	_ =	shalt  }
0x6e: {  	_ =	shalt  }
0x6f: {  	_ =	shalt  }
0x70: {  	_ =	shalt  }
0x71: {  	_ =	shalt  }
0x72: {  	_ =	shalt  }
0x73: {  	_ =	shalt  }
0x74: {  	_ =	shalt  }
0x75: {  	_ =	shalt  }
0x76: {  	_ =	shalt  }
0x77: {  	_ =	shalt  }
0x78: {  	_ =	shalt  }
0x79: {  	_ =	shalt  }
0x7a: {  	_ =	shalt  }
0x7b: {  	_ =	shalt  }
0x7c: {  	_ =	shalt  }
0x7d: {  	_ =	shalt  }
0x7e: {  	_ =	shalt  }
0x7f: {  	_ =	shalt  }
0x80: {  	_ =	shalt  }
0x81: {  	_ =	shalt  }
0x82: {  	_ =	shalt  }
0x83: {  	_ =	shalt  }
0x84: {  	_ =	shalt  }
0x85: {  	_ =	shalt  }
0x86: {  	_ =	shalt  }
0x87: {  	_ =	shalt  }
.Lfunc_end0:
.L_simem_size_0:
called_computation_lowered:
.L_overlay_start_0:
0x88: {  	s2 =	sld [smem:$0x3FD9]  }
0x89: {  	s3 =	sld [smem:$0x3FFE];
	_ =	sdelay $0x1  }
0x8a: {  	s1 =	srdreg.scid  }
0x8b: {  	s0 =	sand.u32 $0x1, s1  }
0x8c: {  	s14 =	sshll.u32 s0, $0xA;
	s2 =	sadd.s32 s3, s2  }
0x8d: {  	s2 =	sadd.s32 s2, s14  }
0x8e: {  	[smem:$0x3FC6] =	sst s2  }
0x8f: {  	_ = 	snop  }
0x90: {  	s2 =	sld [smem:$0x3FD0];
	_ =	sdelay $0x2  }
0x91: {  	s15 =	simm.s32 $0xA;
	s4 =	simm.s32 $0x10  }
0x92: {  	[smem:s4], [sflag:s15] =	dma.local [hbm:s2], $0x1  }
0x93: {  	_ =	swait.eq [sflag:s15], $0x1  }
0x94: {  	[sflag:s15] =	ssyncset.done $0x0  }
0x95: {  	[sflag:s15] =	ssyncadd.s32 $0xFFFFFFFF  }
0x96: {  	s16 =	sld [smem:$0x10];
	(tm) =	ssettm $0x1  }
0x97: {  	s17 =	sld [smem:$0x3FFB];
	_ =	sdelay $0x3  }
0x98: {  	_ =	strace s17  }
0x99: {  	s3 =	sld [smem:$0x3FFC];
	_ =	sdelay $0x3  }
0x9a: {  	_ =	strace s3  }
0x9b: {  	s3 =	sld [smem:$0x3FFD];
	_ =	sdelay $0x3  }
0x9c: {  	_ =	strace s3  }
0x9d: {  	_ =	strace $0x8FFFFFFF  }
0x9e: {  	s18 =	sld [smem:$0x3FDB];
	_ =	sdelay $0x1  }
0x9f: {  	s19 =	simm.s32 $_scs_section_size  }
0xa0: {  	s5 =	simm.s32 $_size__tile_overlayer_lowered;
	s6 =	simm.s32 $_tile_overlayer_lowered  }
0xa1: {  	s22 =	simm.s32 $0x1BFF;
	s21 =	sshll.u32 s6, $0x1;
	s3 =	sadd.s32 s19, s18  }
0xa2: {  	s7 =	simm.s32 $0x0;
	s20 =	sshll.u32 s5, $0x1;
	s5 =	sadd.s32 s21, s3  }
0xa3: {  	[timem:s7], [sflag:s22] =	dma.local [hbm:s5], s20  }
0xa4: {  	_ =	swait.ge [sflag:s22], s20  }
0xa5: {  	s4 =	ssub.s32 $0x0, s20;
	[sflag:s22] =	ssyncset.done $0x0  }
0xa6: {  	[sflag:s22] =	ssyncadd.s32 s4;
	_ =	sdelay $0x1  }
0xa7: {  	s23 =	simm.s32 $0x1B8B  }
0xa8: {  	_ =	swait.ge [sflag:s23], $0x1  }
0xa9: {  	[sflag:s23] =	ssyncset.done $0x0  }
0xaa: {  	s25 =	simm.s32 $0x1B8E;
	s24 =	sld [smem:$0x3FFE];
	[sflag:s23] =	ssyncadd.s32 $0xFFFFFFFF  }
0xab: {  	s26 =	simm.s32 $execute0_lowered;
	[smem:$0x3FD2] =	sst s25  }
0xac: {  	s5 =	sshll.u32 s26, $0x1;
	_ =	strace $0x80000046;
	[dreg:$0x1] =	wrdreg $0xFFFFFFFF  }
0xad: {  	s28 =	simm.s32 $_size_execute0_lowered;
	s3 =	sadd.s32 s3, s5;
	[dreg:$0x0] =	wrdreg $0x0  }
0xae: {  	s5 =	sshll.u32 s28, $0x1;
	[dreg:$0x2] =	wrdreg s3  }
0xaf: {  	[dreg:$0x3] =	wrdreg s5  }
0xb0: {  	[dreg:$0x4] =	wrdreg $0xC0  }
0xb1: {  	_ =	task [dreg:s7], $0x5FFFF  }
0xb2: {  	[dreg:$0x1] =	wrdreg $0xFFFFFFFF  }
0xb3: {  	[dreg:$0x0] =	wrdreg $0x60  }
0xb4: {  	[dreg:$0x2] =	wrdreg s24  }
0xb5: {  	[dreg:$0x3] =	wrdreg s16  }
0xb6: {  	[dreg:$0x4] =	wrdreg $0x9  }
0xb7: {  	_ =	task.clear_ibuf [dreg:s7], $0x5FFFF;
	_ =	strace $0x90000046  }
0xb8: {  	s29 =	simm.s32 $0x9;
	_ =	strace $0x80000048  }
0xb9: {  	_ =	swait.ge [sflag:s29], $0x1  }
0xba: {  	[sflag:s29] =	ssyncadd.s32 $0xFFFFFFFF  }
0xbb: {  	_ =	strace $0x90000048  }
0xbc: {  	_ =	sfence  }
0xbd: {  	s30 =	sld [smem:$0x0];
	_ =	sdelay $0x2  }
0xbe: {  	s31 =	sshll.u32 s1, $0xD;
	s1 =	sshrl.u32 s1, $0x2  }
0xbf: {  	s3 =	sand.u32 $0x4000, s31;
	s1 =	sadd.s32 s1, s30  }
0xc0: {  	s0 =	sor.u32 s3, s0;
	s1 =	sshll.u32 s1, $0x11  }
0xc1: {  	s0 =	sor.u32 s1, s0  }
0xc2: {  	s0 =	sadd.s32 $0x8F2B, s0  }
0xc3: {  	[sflag:s0] =	ssyncadd.remote.s32 $0x1  }
0xc4: {  	_ =	sfence.sel $0xFFFF  }
0xc5: {  	[dreg:$0x0] =	wrdreg $0xFFFFFFFF;
	(pc) =	sbr.abs _section_cstart, $3  }
0xc6: {  	[dreg:$0x1] =	wrdreg $0xFFFFFFFF  }
0xc7: {  	_ =	task.clear_ibuf [dreg:s7], $0x2FFFF;
	_ =	strace $0x9FFFFFFF  }
0xc8: {  	(tm) =	ssettm $0x7FFFFFFF  }
0xc9: {  	_ =	shalt  }
tec
execute0_lowered:
.L_overlay_start_1:
0x0: {  	(tag) =	ssettag $0x1  }
0x1: {  	s4 =	rddreg [dreg:$0x0]  }
0x2: {  	s5 =	rddreg [dreg:$0x1]  }
0x3: {  	s0 =	rddreg [dreg:$0x2]  }
0x4: {  	s3 =	srdreg.scid;
	s1 =	stileid.u32;
	s2 =	simm.s32 $0x0  }
0x5: {  	s11 =	simm.s32 $0x80;
	s12 =	simm.s32 $0x200;
	s13 =	simm.s32 $0x4200  }
0x6: {  	s14 =	simm.s32 $0x1;
	s15 =	simm.s32 $0x100;
	s16 =	simm.s32 $0x2  }
0x7: {  	s17 =	simm.s32 $0x180;
	s18 =	simm.s32 $0x18200;
	s19 =	simm.s32 $0x0  }
0x8: {  	s6 =	sand.u32 $0x1, s3;
	s31 =	sshll.u32 s1, $0x1;
	[smem:$0x7FF] =	sst s2  }
0x9: {  	s3 =	sadd.s32 $0x40400, s4;
	s7 =	sor.u32 s6, s31;
	_ =	strace $0x80000047  }
0xa: {  	s6 =	ssub.s32 $0x2, s6;
	s8 =	sshll.u32 s7, $0xD;
	s9 =	sshll.u32 s7, $0x4  }
0xb: {  	s10 =	sshrl.u32 s6, $0x1;
	s7 =	sshll.u32 s7, $0x6;
	s8 =	sadd.s32 s8, s4  }
0xc: {  	s9 =	sadd.s32 s9, s4;
	s10 =	ssub.s32 s6, s10;
	s4 =	sadd.s32 s5, s7  }
0xd: {  	s5 =	sadd.s32 $0x400, s8;
	s6 =	sadd.s32 $0x60400, s8;
	s7 =	sadd.s32 $0xA0400, s9  }
0xe: {  	s8 =	smax.u32 s10, $0x1;
	s9 =	simm.s32 $0x3;
	s10 =	simm.s32 $0x8200  }
.LBB2_1:
0xf: {  	[tilespmem:s2], [sflag:$0x3] =	stream.linear.gather [hbm4b:s4+s2], $0x200, $0x38;
	[tilespmem:$0x18280] =	vst v63  }
0x10: {  	_ =	swait.ge [sflag:s9], $0x200  }
0x11: {  	[sflag:s9] =	ssyncset.done $0x0  }
0x12: {  	[sflag:s9] =	ssyncadd.s32 $0xFFFFFE00  }
0x13: {  	[tilespmem:s10], [sflag:$0x3] =	stream.linear.gather [hbm4b:s5+s2], $0x10000, $0x38;
	[tilespmem:$0x18280] =	vst v63  }
0x14: {  	_ =	swait.ge [sflag:s9], $0x10000  }
0x15: {  	[sflag:s9] =	ssyncset.done $0x0  }
0x16: {  	[sflag:s9] =	ssyncadd.s32 $0xFFFF0000  }
0x17: {  	[tilespmem:s12], [sflag:$0x1] =	stream.indirect.gather [hbm4b:s3+s11], $0x80, s2, s11, $0xb8;
	[tilespmem:$0x18280] =	vst v63  }
0x18: {  	_ = 	snop  }
0x19: {  	[tilespmem:s13], [sflag:$0x2] =	stream.indirect.gather [hbm4b:s3+s11], $0x80, s11, s11, $0xb8;
	[tilespmem:$0x18280] =	vst v63  }
0x1a: {  	_ =	swait.ge [sflag:s14], $0x4000  }
0x1b: {  	[sflag:s14] =	ssyncset.done $0x0  }
0x1c: {  	s20 =	simm.s32 $0x0;
	[sflag:s14] =	ssyncadd.s32 $0xFFFFC000  }
0x1d: {  	v2 =	vld [tilespmem:s20+$0x200]  }
0x1e: {  	v3 =	vld [tilespmem:s20+$0x210]  }
0x1f: {  	v0 =	vimm.f32 $0.0e+00;
	s21 =	simm.s32 $0x200;
	v1 =	vimm.f32 $0.0e+00;
	v4 =	vld [tilespmem:s20+$0x8200]  }
.LBB2_2:
0x20: {  	p0 =	sne.s32 s21, $0xFE00;
	v5 =	vld [tilespmem:s20+$0x8210];
	_ =	sdelay $0x3  }
0x21: {  	v2 =	vsub.f32 v2, v4  }
.Ltmp0:
0x22: {  	v3 =	vsub.f32 v3, v5;
	(pc) =	sbr.rel @p0 .LBB2_2-.Ltmp0, $4  }
0x23: {  	s22 =	sshra.s32 s21, $0x2;
	v4 =	vadd.f32 v2, v4;
	v6 =	vmul.f32 v2, v2  }
0x24: {  	v2 =	vld [tilespmem:s22+$0x200];
	v5 =	vadd.f32 v3, v5;
	v7 =	vmul.f32 v3, v3  }
0x25: {  	v3 =	vld [tilespmem:s22+$0x210];
	[tilespmem:s20+$0x8200] =	vst v4;
	v0 =	vadd.f32 v6, v0  }
0x26: {  	s21 =	sadd.s32 $0x200, s21;
	v4 =	vld [tilespmem:s22+$0x8200];
	[tilespmem:s20+$0x8210] =	vst v5;
	v1 =	vadd.f32 v7, v1;
	s20 =	smov.u32 s22  }
0x27: {  	v5 =	vld [tilespmem:s20+$0x8210];
	_ =	sdelay $0x3  }
0x28: {  	v2 =	vsub.f32 v2, v4  }
0x29: {  	v3 =	vsub.f32 v3, v5  }
0x2a: {  	v4 =	vadd.f32 v2, v4  }
0x2b: {  	v5 =	vadd.f32 v3, v5  }
0x2c: {  	[tilespmem:s20+$0x8200] =	vst v4  }
0x2d: {  	[tilespmem:s20+$0x8210] =	vst v5  }
0x2e: {  	[tilespmem:s12], [sflag:$0x1] =	stream.indirect.gather [hbm4b:s3+s11], $0x80, s15, s11, $0xb8;
	[tilespmem:$0x18280] =	vst v63  }
0x2f: {  	_ =	swait.ge [sflag:s16], $0x4000  }
0x30: {  	[sflag:s16] =	ssyncset.done $0x0  }
0x31: {  	s20 =	simm.s32 $0xFFFFC000;
	[sflag:s16] =	ssyncadd.s32 $0xFFFFC000  }
0x32: {  	v4 =	vmul.f32 v2, v2;
	v5 =	vmul.f32 v3, v3;
	v2 =	vld [tilespmem:s20+$0x8200]  }
0x33: {  	v3 =	vld [tilespmem:s20+$0x8210]  }
0x34: {  	s21 =	simm.s32 $0xFFFF0200;
	v0 =	vadd.f32 v4, v0;
	v1 =	vadd.f32 v5, v1;
	v4 =	vld [tilespmem:s20+$0x10200]  }
.LBB2_4:
0x35: {  	p0 =	sne.s32 s21, $0xFFFFFE00;
	v5 =	vld [tilespmem:s20+$0x10210];
	_ =	sdelay $0x3  }
0x36: {  	v2 =	vsub.f32 v2, v4  }
.Ltmp1:
0x37: {  	v3 =	vsub.f32 v3, v5;
	(pc) =	sbr.rel @p0 .LBB2_4-.Ltmp1, $4  }
0x38: {  	s22 =	sshra.s32 s21, $0x2;
	v4 =	vadd.f32 v2, v4;
	v6 =	vmul.f32 v2, v2  }
0x39: {  	v2 =	vld [tilespmem:s22+$0x8200];
	v5 =	vadd.f32 v3, v5;
	v7 =	vmul.f32 v3, v3  }
0x3a: {  	v3 =	vld [tilespmem:s22+$0x8210];
	[tilespmem:s20+$0x10200] =	vst v4;
	v0 =	vadd.f32 v6, v0  }
0x3b: {  	s21 =	sadd.s32 $0x200, s21;
	v4 =	vld [tilespmem:s22+$0x10200];
	[tilespmem:s20+$0x10210] =	vst v5;
	v1 =	vadd.f32 v7, v1;
	s20 =	smov.u32 s22  }
0x3c: {  	v5 =	vld [tilespmem:s20+$0x10210];
	_ =	sdelay $0x3  }
0x3d: {  	v2 =	vsub.f32 v2, v4  }
0x3e: {  	v3 =	vsub.f32 v3, v5  }
0x3f: {  	v4 =	vadd.f32 v2, v4  }
0x40: {  	v5 =	vadd.f32 v3, v5  }
0x41: {  	[tilespmem:s20+$0x10200] =	vst v4  }
0x42: {  	[tilespmem:s20+$0x10210] =	vst v5  }
0x43: {  	[tilespmem:s13], [sflag:$0x2] =	stream.indirect.gather [hbm4b:s3+s11], $0x80, s17, s11, $0xb8;
	[tilespmem:$0x18280] =	vst v63  }
0x44: {  	_ =	swait.ge [sflag:s14], $0x4000  }
0x45: {  	[sflag:s14] =	ssyncset.done $0x0  }
0x46: {  	s20 =	simm.s32 $0x0;
	[sflag:s14] =	ssyncadd.s32 $0xFFFFC000  }
0x47: {  	v4 =	vmul.f32 v2, v2;
	v5 =	vmul.f32 v3, v3;
	v2 =	vld [tilespmem:s20+$0x200]  }
0x48: {  	v3 =	vld [tilespmem:s20+$0x210]  }
0x49: {  	s21 =	simm.s32 $0x200;
	v0 =	vadd.f32 v4, v0;
	v1 =	vadd.f32 v5, v1;
	v4 =	vld [tilespmem:s20+$0x10200]  }
.LBB2_6:
0x4a: {  	p0 =	sne.s32 s21, $0xFE00;
	v5 =	vld [tilespmem:s20+$0x10210];
	_ =	sdelay $0x3  }
0x4b: {  	v2 =	vsub.f32 v2, v4  }
.Ltmp2:
0x4c: {  	v3 =	vsub.f32 v3, v5;
	(pc) =	sbr.rel @p0 .LBB2_6-.Ltmp2, $4  }
0x4d: {  	s22 =	sshra.s32 s21, $0x2;
	v4 =	vadd.f32 v2, v4;
	v6 =	vmul.f32 v2, v2  }
0x4e: {  	v2 =	vld [tilespmem:s22+$0x200];
	v5 =	vadd.f32 v3, v5;
	v7 =	vmul.f32 v3, v3  }
0x4f: {  	v3 =	vld [tilespmem:s22+$0x210];
	[tilespmem:s20+$0x10200] =	vst v4;
	v0 =	vadd.f32 v6, v0  }
0x50: {  	s21 =	sadd.s32 $0x200, s21;
	v4 =	vld [tilespmem:s22+$0x10200];
	[tilespmem:s20+$0x10210] =	vst v5;
	v1 =	vadd.f32 v7, v1;
	s20 =	smov.u32 s22  }
0x51: {  	v5 =	vld [tilespmem:s20+$0x10210];
	_ =	sdelay $0x3  }
0x52: {  	v2 =	vsub.f32 v2, v4  }
0x53: {  	v3 =	vsub.f32 v3, v5  }
0x54: {  	v4 =	vadd.f32 v2, v4  }
0x55: {  	v5 =	vadd.f32 v3, v5  }
0x56: {  	[tilespmem:s20+$0x10200] =	vst v4  }
0x57: {  	[tilespmem:s20+$0x10210] =	vst v5  }
0x58: {  	_ =	swait.ge [sflag:s16], $0x4000  }
0x59: {  	[sflag:s16] =	ssyncset.done $0x0  }
0x5a: {  	s20 =	simm.s32 $0xFFFFC000;
	[sflag:s16] =	ssyncadd.s32 $0xFFFFC000  }
0x5b: {  	v4 =	vmul.f32 v2, v2;
	v5 =	vmul.f32 v3, v3;
	v2 =	vld [tilespmem:s20+$0x8200]  }
0x5c: {  	v3 =	vld [tilespmem:s20+$0x8210]  }
0x5d: {  	s21 =	simm.s32 $0xFFFF0200;
	v0 =	vadd.f32 v4, v0;
	v1 =	vadd.f32 v5, v1;
	v4 =	vld [tilespmem:s20+$0x18200]  }
.LBB2_8:
0x5e: {  	p0 =	sne.s32 s21, $0xFFFFFE00;
	v5 =	vld [tilespmem:s20+$0x18210];
	_ =	sdelay $0x3  }
0x5f: {  	v2 =	vsub.f32 v2, v4  }
.Ltmp3:
0x60: {  	v3 =	vsub.f32 v3, v5;
	(pc) =	sbr.rel @p0 .LBB2_8-.Ltmp3, $4  }
0x61: {  	s22 =	sshra.s32 s21, $0x2;
	v4 =	vadd.f32 v2, v4;
	v6 =	vmul.f32 v2, v2  }
0x62: {  	v2 =	vld [tilespmem:s22+$0x8200];
	v5 =	vadd.f32 v3, v5;
	v7 =	vmul.f32 v3, v3  }
0x63: {  	v3 =	vld [tilespmem:s22+$0x8210];
	[tilespmem:s20+$0x18200] =	vst v4;
	v0 =	vadd.f32 v6, v0  }
0x64: {  	s21 =	sadd.s32 $0x200, s21;
	v4 =	vld [tilespmem:s22+$0x18200];
	[tilespmem:s20+$0x18210] =	vst v5;
	v1 =	vadd.f32 v7, v1;
	s20 =	smov.u32 s22  }
0x65: {  	v5 =	vld [tilespmem:s20+$0x18210];
	_ =	sdelay $0x4  }
0x66: {  	v2 =	vsub.f32 v2, v4;
	v3 =	vsub.f32 v3, v5;
	_ =	sdelay $0x1  }
0x67: {  	v6 =	vmul.f32 v2, v2;
	v7 =	vmul.f32 v3, v3  }
0x68: {  	v2 =	vadd.f32 v2, v4  }
0x69: {  	v0 =	vadd.f32 v6, v0;
	v1 =	vadd.f32 v7, v1  }
0x6a: {  	v3 =	vadd.f32 v3, v5  }
0x6b: {  	[tilespmem:s20+$0x18200] =	vst v2;
	v0 =	vadd.f32 v1, v0  }
0x6c: {  	[tilespmem:s20+$0x18210] =	vst v3  }
0x6d: {  	[tilespmem:$0x18200] =	vst v0  }
0x6e: {  	[hbm4b:s6+s2] =	stream.linear.scatter [tilespmem:s10], [sflag:$0x3], $0x10000, $0x38;
	[tilespmem:$0x18280] =	vst v63  }
0x6f: {  	s19 =	sadd.s32 $0x1, s19;
	_ =	swait.ge [sflag:s9], $0x10000  }
0x70: {  	p0 =	sne.s32 s19, s8;
	[sflag:s9] =	ssyncset.done $0x0  }
.Ltmp4:
0x71: {  	[sflag:s9] =	ssyncadd.s32 $0xFFFF0000;
	(pc) =	sbr.rel @p0 .LBB2_1-.Ltmp4, $4  }
0x72: {  	[hbm4b:s7+s2] =	stream.linear.scatter [tilespmem:s18], [sflag:$0x3], $0x80, $0x38;
	[tilespmem:$0x18280] =	vst v63  }
0x73: {  	_ =	swait.ge [sflag:s9], $0x80  }
0x74: {  	[sflag:s9] =	ssyncset.done $0x0  }
0x75: {  	[sflag:s9] =	ssyncadd.s32 $0xFFFFFF80  }
0x76: {  	_ =	sfence.sel $0x180000  }
0x77: {  	[bflag:$0x0] =	sbarrier.arrive $0xFFFF  }
0x78: {  	p0 =	sne.s32 s1, $0x0;
	_ =	strace $0x90000047  }
0x79: {  	s0 =	sadd.s32 @!p0 $0x100000, s0;
	[bflag:$0x2] =	sbarrier.arrive $0xFFFF  }
0x7a: {  	[sflag:s0] =	ssyncadd.tile.s32 @!p0 $0x1;
	_ =	shalt  }
.Lfunc_end2:
_tile_overlayer_lowered:
.L_overlay_start_2:
0x7b: {  	(tag) =	ssettag $0x2  }
0x7c: {  	s0 =	rddreg [dreg:$0x0];
	s2 =	stileid.u32  }
0x7d: {  	s1 =	rddreg [dreg:$0x1];
	p0 =	sne.s32 s2, $0x0  }
0x7e: {  	s3 =	rddreg [dreg:$0x2];
	[bflag:$0x3] =	sbarrier.arrive $0xFFFF;
	s2 =	simm.s32 @!p0 $0x1C03  }
0x7f: {  	[timem:s3], [sflag:s2] =	dma.local @!p0 [hbm:s0], s1  }
0x80: {  	s0 =	simm.s32 @!p0 $0x3  }
0x81: {  	_ =	swait.ge @!p0 [sflag:s0], s1  }
0x82: {  	s1 =	ssub.s32 @!p0 $0x0, s1;
	[sflag:s0] =	ssyncset.done @!p0 $0x0  }
0x83: {  	[sflag:s0] =	ssyncadd.s32 @!p0 s1  }
0x84: {  	[bflag:$0x3] =	sbarrier.arrive $0xFFFF  }
0x85: {  	_ =	shalt  }

</sc_bundles>
